<compile_context>
chip_gen: v7x
topology: tpu7x:2x2x1
jax: 0.10.2.dev20260603
libtpu: 0.0.44.dev20260713+nightly
codegen_flags: <defaults>
</compile_context>

<pallas_src>
import functools

import jax
import jax.numpy as jnp
from jax import lax
from jax.experimental import pallas as pl
from jax.experimental.pallas import tpu as pltpu
from jax.experimental.pallas import tpu_sc as plsc

_L = 16


@functools.lru_cache(maxsize=None)
def _build(B, V, H):
    info = plsc.get_sparse_core_info()
    NC, NS = info.num_cores, info.num_subcores
    NW = NC * NS
    b_per_w = B // NW

    mesh = plsc.VectorSubcoreMesh(core_axis_name="c", subcore_axis_name="s")

    @functools.partial(
        pl.kernel,
        mesh=mesh,
        out_type=jax.ShapeDtypeStruct((B, H), jnp.float32),
        scratch_types=[
            pltpu.VMEM((b_per_w,), jnp.int32),
            pltpu.VMEM((b_per_w, H), jnp.float32),
            pltpu.SemaphoreType.DMA,
        ],
    )
    def _k(ids_hbm, table_hbm, out_hbm, idx_v, rows_v, sem):
        wid = lax.axis_index("s") * NC + lax.axis_index("c")
        base = wid * b_per_w

        pltpu.sync_copy(ids_hbm.at[pl.ds(base, b_per_w)], idx_v)

        def fetch(j, carry):
            vec = idx_v[pl.ds(j * _L, _L)]
            for k in range(_L):
                uid = vec[k]
                pltpu.async_copy(table_hbm.at[uid], rows_v.at[j * _L + k], sem)
            return carry

        lax.fori_loop(0, b_per_w // _L, fetch, None, unroll=2)

        def drain(i, carry):
            pltpu.make_async_copy(table_hbm.at[0], rows_v.at[i], sem).wait()
            return carry

        lax.fori_loop(0, b_per_w, drain, None, unroll=8)

        lane = lax.iota(jnp.int32, _L)
        perms = [lane ^ s for s in (1, 2, 4, 8)]

        def row(i, carry):
            v = rows_v[i]
            m = v
            for p in perms:
                m = jnp.maximum(m, m.at[p].get(mode="promise_in_bounds"))
            e = jnp.exp(v - m)
            s = e
            for p in perms:
                s = s + s.at[p].get(mode="promise_in_bounds")
            rows_v[i] = e / s
            return carry

        lax.fori_loop(0, b_per_w, row, None, unroll=8)

        pltpu.sync_copy(rows_v, out_hbm.at[pl.ds(base, b_per_w)])

    return _k


def kernel(user_ids, logits_weight):
    B = user_ids.shape[0]
    V, H = logits_weight.shape
    return _build(B, V, H)(user_ids.astype(jnp.int32), logits_weight)

# --- scband reference (transcript-rebuilt; emitter-appended) ---
"""Pipeline reference for scband-user-head-gate-30416958390625 (READ-ONLY COPY).

The authoritative reference and input builder live on the scoring server;
editing this copy changes nothing except your own understanding.
"""

import jax, jax.numpy as jnp
import numpy as np

NUM_USERS = 1000000
NUM_HEADS = 16
BATCH = 16384

def setup_inputs(seed: int = 0) -> dict:
    key = jax.random.key(seed)
    k_ids, k_w = jax.random.split(key)
    user_ids = jax.random.randint(k_ids, (BATCH,), 0, NUM_USERS, dtype=jnp.int64 if jax.config.jax_enable_x64 else jnp.int32)
    # Learned parameter: logits embedding table [num_users, num_heads].
    # (The torch module zero-inits; we use small random values so the softmax is non-trivial.)
    logits_weight = jax.random.normal(k_w, (NUM_USERS, NUM_HEADS), dtype=jnp.float32) * 0.02
    return {"user_ids": user_ids, "logits_weight": logits_weight}

def reference(user_ids, logits_weight):
    # gate(u) = softmax(Embedding(u)) over heads; per-user gates (use_mean_gate=False)
    gathered = jnp.take(logits_weight, user_ids, axis=0)  # [B, H]
    return jax.nn.softmax(gathered, axis=-1)

if __name__ == "__main__":
    import jax
    _d = setup_inputs()
    print(jax.jit(kernel)(*tuple(_d.values())))

</pallas_src>

<mosaic_0001>
#map = affine_map<(d0, d1) -> (0)>
#map1 = affine_map<(d0, d1) -> (0, 0)>
module attributes {stable_mosaic.version = 14 : i64} {
  func.func @_k(%arg0: i32, %arg1: i32, %arg2: memref<16384xi32, #tpu.memory_space<hbm>>, %arg3: memref<1000000x16xf32, #tpu.memory_space<hbm>>, %arg4: memref<16384x16xf32, #tpu.memory_space<hbm>>, %arg5: memref<512xi32, #tpu.memory_space<vmem>>, %arg6: memref<512x16xf32, #tpu.memory_space<vmem>>, %arg7: memref<!tpu.dma_semaphore, #tpu.memory_space<semaphore_mem>>) attributes {dimension_semantics = [#tpu.dimension_semantics<core_parallel>, #tpu.dimension_semantics<subcore_parallel>], iteration_bounds = array<i64: 2, 16>, scalar_prefetch = 0 : i64, scratch_operands = 3 : i64, tpu.core_type = #tpu.core_type<sc_vector_subcore>, window_params = [{transform_indices = #map}, {transform_indices = #map1}, {transform_indices = #map1}]} {
    %mul3A = arith.constant 2 : i32
    %mul3A_0 = arith.muli %arg1, %mul3A : i32
    %add3A = arith.addi %mul3A_0, %arg0 : i32
    %mul3A_1 = arith.constant 512 : i32
    %mul3A_2 = arith.muli %add3A, %mul3A_1 : i32
    "tpu.region"() ({
      %run_scoped3A = tpu.sem_alloc : memref<!tpu.dma_semaphore, #tpu.memory_space<semaphore_mem>>
      %dma_start3A = tpu.memref_slice %arg2[%mul3A_2] : memref<16384xi32, #tpu.memory_space<hbm>> -> memref<512xi32, #tpu.memory_space<hbm>>
      %dma_start3A_28 = tpu.memref_slice %arg2[%mul3A_2] : memref<16384xi32, #tpu.memory_space<hbm>> -> memref<512xi32, #tpu.memory_space<hbm>>
      tpu.enqueue_dma source(%dma_start3A_28 : memref<512xi32, #tpu.memory_space<hbm>>) target(%arg5 : memref<512xi32, #tpu.memory_space<vmem>>) target_semaphore(%run_scoped3A : memref<!tpu.dma_semaphore, #tpu.memory_space<semaphore_mem>>)
      %dma_wait3A = tpu.memref_slice %arg2[%mul3A_2] : memref<16384xi32, #tpu.memory_space<hbm>> -> memref<512xi32, #tpu.memory_space<hbm>>
      %dma_wait3A_29 = tpu.memref_slice %arg2[%mul3A_2] : memref<16384xi32, #tpu.memory_space<hbm>> -> memref<512xi32, #tpu.memory_space<hbm>>
      tpu.wait_dma2 semaphore(%run_scoped3A : memref<!tpu.dma_semaphore, #tpu.memory_space<semaphore_mem>>) src(%dma_wait3A_29 : memref<512xi32, #tpu.memory_space<hbm>>) dst(%arg5 : memref<512xi32, #tpu.memory_space<vmem>>)
      tpu.yield
    }) : () -> ()
    %scan3A = arith.constant 0 : i32
    %scan3A_3 = arith.constant 32 : i32
    %scan3A_4 = arith.addi %scan3A, %scan3A_3 : i32
    %scan3A_5 = arith.constant 2 : i32
    scf.for %scan3A_28 = %scan3A to %scan3A_4 step %scan3A_5  : i32 {
      %mul3A_29 = arith.constant 16 : i32
      %mul3A_30 = arith.muli %scan3A_28, %mul3A_29 : i32
      %get3A = arith.index_cast %mul3A_30 : i32 to index
      %get3A_31 = tpu.vector_load %arg5[%get3A] {strides = array<i32>} : memref<512xi32, #tpu.memory_space<vmem>>, vector<16xi32>,
      %get3A_32 = vector.shape_cast %get3A_31 : vector<16xi32> to vector<16xi32>
      %slice3A = vector.extract_strided_slice %get3A_32 {offsets = [0], sizes = [1], strides = [1]} : vector<16xi32> to vector<1xi32>
      %squeeze3A = vector.extract %slice3A[0] : i32 from vector<1xi32>
      %mul3A_33 = arith.constant 16 : i32
      %mul3A_34 = arith.muli %scan3A_28, %mul3A_33 : i32
      %add3A_35 = arith.constant 0 : i32
      %add3A_36 = arith.addi %mul3A_34, %add3A_35 : i32
      %dma_start3A = arith.constant 0 : i32
      %dma_start3A_37 = tpu.memref_slice %arg6[%add3A_36, %dma_start3A] : memref<512x16xf32, #tpu.memory_space<vmem>> -> memref<1x16xf32, #tpu.memory_space<vmem>>
      %dma_start3A_38 = tpu.memref_squeeze %dma_start3A_37 : memref<1x16xf32, #tpu.memory_space<vmem>> -> memref<16xf32, #tpu.memory_space<vmem>>
      %dma_start3A_39 = arith.constant 0 : i32
      %dma_start3A_40 = tpu.memref_slice %arg3[%squeeze3A, %dma_start3A_39] : memref<1000000x16xf32, #tpu.memory_space<hbm>> -> memref<1x16xf32, #tpu.memory_space<hbm>>
      %dma_start3A_41 = tpu.memref_squeeze %dma_start3A_40 : memref<1x16xf32, #tpu.memory_space<hbm>> -> memref<16xf32, #tpu.memory_space<hbm>>
      %dma_start3A_42 = arith.constant 0 : i32
      %dma_start3A_43 = tpu.memref_slice %arg6[%add3A_36, %dma_start3A_42] : memref<512x16xf32, #tpu.memory_space<vmem>> -> memref<1x16xf32, #tpu.memory_space<vmem>>
      %dma_start3A_44 = tpu.memref_squeeze %dma_start3A_43 : memref<1x16xf32, #tpu.memory_space<vmem>> -> memref<16xf32, #tpu.memory_space<vmem>>
      %dma_start3A_45 = arith.constant 0 : i32
      %dma_start3A_46 = tpu.memref_slice %arg3[%squeeze3A, %dma_start3A_45] : memref<1000000x16xf32, #tpu.memory_space<hbm>> -> memref<1x16xf32, #tpu.memory_space<hbm>>
      %dma_start3A_47 = tpu.memref_squeeze %dma_start3A_46 : memref<1x16xf32, #tpu.memory_space<hbm>> -> memref<16xf32, #tpu.memory_space<hbm>>
      tpu.enqueue_dma source(%dma_start3A_47 : memref<16xf32, #tpu.memory_space<hbm>>) target(%dma_start3A_44 : memref<16xf32, #tpu.memory_space<vmem>>) target_semaphore(%arg7 : memref<!tpu.dma_semaphore, #tpu.memory_space<semaphore_mem>>)
      %slice3A_48 = vector.extract_strided_slice %get3A_32 {offsets = [1], sizes = [1], strides = [1]} : vector<16xi32> to vector<1xi32>
      %squeeze3A_49 = vector.extract %slice3A_48[0] : i32 from vector<1xi32>
      %mul3A_50 = arith.constant 16 : i32
      %mul3A_51 = arith.muli %scan3A_28, %mul3A_50 : i32
      %add3A_52 = arith.constant 1 : i32
      %add3A_53 = arith.addi %mul3A_51, %add3A_52 : i32
      %dma_start3A_54 = arith.constant 0 : i32
      %dma_start3A_55 = tpu.memref_slice %arg6[%add3A_53, %dma_start3A_54] : memref<512x16xf32, #tpu.memory_space<vmem>> -> memref<1x16xf32, #tpu.memory_space<vmem>>
      %dma_start3A_56 = tpu.memref_squeeze %dma_start3A_55 : memref<1x16xf32, #tpu.memory_space<vmem>> -> memref<16xf32, #tpu.memory_space<vmem>>
      %dma_start3A_57 = arith.constant 0 : i32
      %dma_start3A_58 = tpu.memref_slice %arg3[%squeeze3A_49, %dma_start3A_57] : memref<1000000x16xf32, #tpu.memory_space<hbm>> -> memref<1x16xf32, #tpu.memory_space<hbm>>
      %dma_start3A_59 = tpu.memref_squeeze %dma_start3A_58 : memref<1x16xf32, #tpu.memory_space<hbm>> -> memref<16xf32, #tpu.memory_space<hbm>>
      %dma_start3A_60 = arith.constant 0 : i32
      %dma_start3A_61 = tpu.memref_slice %arg6[%add3A_53, %dma_start3A_60] : memref<512x16xf32, #tpu.memory_space<vmem>> -> memref<1x16xf32, #tpu.memory_space<vmem>>
      %dma_start3A_62 = tpu.memref_squeeze %dma_start3A_61 : memref<1x16xf32, #tpu.memory_space<vmem>> -> memref<16xf32, #tpu.memory_space<vmem>>
      %dma_start3A_63 = arith.constant 0 : i32
      %dma_start3A_64 = tpu.memref_slice %arg3[%squeeze3A_49, %dma_start3A_63] : memref<1000000x16xf32, #tpu.memory_space<hbm>> -> memref<1x16xf32, #tpu.memory_space<hbm>>
      %dma_start3A_65 = tpu.memref_squeeze %dma_start3A_64 : memref<1x16xf32, #tpu.memory_space<hbm>> -> memref<16xf32, #tpu.memory_space<hbm>>
      tpu.enqueue_dma source(%dma_start3A_65 : memref<16xf32, #tpu.memory_space<hbm>>) target(%dma_start3A_62 : memref<16xf32, #tpu.memory_space<vmem>>) target_semaphore(%arg7 : memref<!tpu.dma_semaphore, #tpu.memory_space<semaphore_mem>>)
      %slice3A_66 = vector.extract_strided_slice %get3A_32 {offsets = [2], sizes = [1], strides = [1]} : vector<16xi32> to vector<1xi32>
      %squeeze3A_67 = vector.extract %slice3A_66[0] : i32 from vector<1xi32>
      %mul3A_68 = arith.constant 16 : i32
      %mul3A_69 = arith.muli %scan3A_28, %mul3A_68 : i32
      %add3A_70 = arith.constant 2 : i32
      %add3A_71 = arith.addi %mul3A_69, %add3A_70 : i32
      %dma_start3A_72 = arith.constant 0 : i32
      %dma_start3A_73 = tpu.memref_slice %arg6[%add3A_71, %dma_start3A_72] : memref<512x16xf32, #tpu.memory_space<vmem>> -> memref<1x16xf32, #tpu.memory_space<vmem>>
      %dma_start3A_74 = tpu.memref_squeeze %dma_start3A_73 : memref<1x16xf32, #tpu.memory_space<vmem>> -> memref<16xf32, #tpu.memory_space<vmem>>
      %dma_start3A_75 = arith.constant 0 : i32
      %dma_start3A_76 = tpu.memref_slice %arg3[%squeeze3A_67, %dma_start3A_75] : memref<1000000x16xf32, #tpu.memory_space<hbm>> -> memref<1x16xf32, #tpu.memory_space<hbm>>
      %dma_start3A_77 = tpu.memref_squeeze %dma_start3A_76 : memref<1x16xf32, #tpu.memory_space<hbm>> -> memref<16xf32, #tpu.memory_space<hbm>>
      %dma_start3A_78 = arith.constant 0 : i32
      %dma_start3A_79 = tpu.memref_slice %arg6[%add3A_71, %dma_start3A_78] : memref<512x16xf32, #tpu.memory_space<vmem>> -> memref<1x16xf32, #tpu.memory_space<vmem>>
      %dma_start3A_80 = tpu.memref_squeeze %dma_start3A_79 : memref<1x16xf32, #tpu.memory_space<vmem>> -> memref<16xf32, #tpu.memory_space<vmem>>
      %dma_start3A_81 = arith.constant 0 : i32
      %dma_start3A_82 = tpu.memref_slice %arg3[%squeeze3A_67, %dma_start3A_81] : memref<1000000x16xf32, #tpu.memory_space<hbm>> -> memref<1x16xf32, #tpu.memory_space<hbm>>
      %dma_start3A_83 = tpu.memref_squeeze %dma_start3A_82 : memref<1x16xf32, #tpu.memory_space<hbm>> -> memref<16xf32, #tpu.memory_space<hbm>>
      tpu.enqueue_dma source(%dma_start3A_83 : memref<16xf32, #tpu.memory_space<hbm>>) target(%dma_start3A_80 : memref<16xf32, #tpu.memory_space<vmem>>) target_semaphore(%arg7 : memref<!tpu.dma_semaphore, #tpu.memory_space<semaphore_mem>>)
      %slice3A_84 = vector.extract_strided_slice %get3A_32 {offsets = [3], sizes = [1], strides = [1]} : vector<16xi32> to vector<1xi32>
      %squeeze3A_85 = vector.extract %slice3A_84[0] : i32 from vector<1xi32>
      %mul3A_86 = arith.constant 16 : i32
      %mul3A_87 = arith.muli %scan3A_28, %mul3A_86 : i32
      %add3A_88 = arith.constant 3 : i32
      %add3A_89 = arith.addi %mul3A_87, %add3A_88 : i32
      %dma_start3A_90 = arith.constant 0 : i32
      %dma_start3A_91 = tpu.memref_slice %arg6[%add3A_89, %dma_start3A_90] : memref<512x16xf32, #tpu.memory_space<vmem>> -> memref<1x16xf32, #tpu.memory_space<vmem>>
      %dma_start3A_92 = tpu.memref_squeeze %dma_start3A_91 : memref<1x16xf32, #tpu.memory_space<vmem>> -> memref<16xf32, #tpu.memory_space<vmem>>
      %dma_start3A_93 = arith.constant 0 : i32
      %dma_start3A_94 = tpu.memref_slice %arg3[%squeeze3A_85, %dma_start3A_93] : memref<1000000x16xf32, #tpu.memory_space<hbm>> -> memref<1x16xf32, #tpu.memory_space<hbm>>
      %dma_start3A_95 = tpu.memref_squeeze %dma_start3A_94 : memref<1x16xf32, #tpu.memory_space<hbm>> -> memref<16xf32, #tpu.memory_space<hbm>>
      %dma_start3A_96 = arith.constant 0 : i32
      %dma_start3A_97 = tpu.memref_slice %arg6[%add3A_89, %dma_start3A_96] : memref<512x16xf32, #tpu.memory_space<vmem>> -> memref<1x16xf32, #tpu.memory_space<vmem>>
      %dma_start3A_98 = tpu.memref_squeeze %dma_start3A_97 : memref<1x16xf32, #tpu.memory_space<vmem>> -> memref<16xf32, #tpu.memory_space<vmem>>
      %dma_start3A_99 = arith.constant 0 : i32
      %dma_start3A_100 = tpu.memref_slice %arg3[%squeeze3A_85, %dma_start3A_99] : memref<1000000x16xf32, #tpu.memory_space<hbm>> -> memref<1x16xf32, #tpu.memory_space<hbm>>
      %dma_start3A_101 = tpu.memref_squeeze %dma_start3A_100 : memref<1x16xf32, #tpu.memory_space<hbm>> -> memref<16xf32, #tpu.memory_space<hbm>>
      tpu.enqueue_dma source(%dma_start3A_101 : memref<16xf32, #tpu.memory_space<hbm>>) target(%dma_start3A_98 : memref<16xf32, #tpu.memory_space<vmem>>) target_semaphore(%arg7 : memref<!tpu.dma_semaphore, #tpu.memory_space<semaphore_mem>>)
      %slice3A_102 = vector.extract_strided_slice %get3A_32 {offsets = [4], sizes = [1], strides = [1]} : vector<16xi32> to vector<1xi32>
      %squeeze3A_103 = vector.extract %slice3A_102[0] : i32 from vector<1xi32>
      %mul3A_104 = arith.constant 16 : i32
      %mul3A_105 = arith.muli %scan3A_28, %mul3A_104 : i32
      %add3A_106 = arith.constant 4 : i32
      %add3A_107 = arith.addi %mul3A_105, %add3A_106 : i32
      %dma_start3A_108 = arith.constant 0 : i32
      %dma_start3A_109 = tpu.memref_slice %arg6[%add3A_107, %dma_start3A_108] : memref<512x16xf32, #tpu.memory_space<vmem>> -> memref<1x16xf32, #tpu.memory_space<vmem>>
      %dma_start3A_110 = tpu.memref_squeeze %dma_start3A_109 : memref<1x16xf32, #tpu.memory_space<vmem>> -> memref<16xf32, #tpu.memory_space<vmem>>
      %dma_start3A_111 = arith.constant 0 : i32
      %dma_start3A_112 = tpu.memref_slice %arg3[%squeeze3A_103, %dma_start3A_111] : memref<1000000x16xf32, #tpu.memory_space<hbm>> -> memref<1x16xf32, #tpu.memory_space<hbm>>
      %dma_start3A_113 = tpu.memref_squeeze %dma_start3A_112 : memref<1x16xf32, #tpu.memory_space<hbm>> -> memref<16xf32, #tpu.memory_space<hbm>>
      %dma_start3A_114 = arith.constant 0 : i32
      %dma_start3A_115 = tpu.memref_slice %arg6[%add3A_107, %dma_start3A_114] : memref<512x16xf32, #tpu.memory_space<vmem>> -> memref<1x16xf32, #tpu.memory_space<vmem>>
      %dma_start3A_116 = tpu.memref_squeeze %dma_start3A_115 : memref<1x16xf32, #tpu.memory_space<vmem>> -> memref<16xf32, #tpu.memory_space<vmem>>
      %dma_start3A_117 = arith.constant 0 : i32
      %dma_start3A_118 = tpu.memref_slice %arg3[%squeeze3A_103, %dma_start3A_117] : memref<1000000x16xf32, #tpu.memory_space<hbm>> -> memref<1x16xf32, #tpu.memory_space<hbm>>
      %dma_start3A_119 = tpu.memref_squeeze %dma_start3A_118 : memref<1x16xf32, #tpu.memory_space<hbm>> -> memref<16xf32, #tpu.memory_space<hbm>>
      tpu.enqueue_dma source(%dma_start3A_119 : memref<16xf32, #tpu.memory_space<hbm>>) target(%dma_start3A_116 : memref<16xf32, #tpu.memory_space<vmem>>) target_semaphore(%arg7 : memref<!tpu.dma_semaphore, #tpu.memory_space<semaphore_mem>>)
      %slice3A_120 = vector.extract_strided_slice %get3A_32 {offsets = [5], sizes = [1], strides = [1]} : vector<16xi32> to vector<1xi32>
      %squeeze3A_121 = vector.extract %slice3A_120[0] : i32 from vector<1xi32>
      %mul3A_122 = arith.constant 16 : i32
      %mul3A_123 = arith.muli %scan3A_28, %mul3A_122 : i32
      %add3A_124 = arith.constant 5 : i32
      %add3A_125 = arith.addi %mul3A_123, %add3A_124 : i32
      %dma_start3A_126 = arith.constant 0 : i32
      %dma_start3A_127 = tpu.memref_slice %arg6[%add3A_125, %dma_start3A_126] : memref<512x16xf32, #tpu.memory_space<vmem>> -> memref<1x16xf32, #tpu.memory_space<vmem>>
      %dma_start3A_128 = tpu.memref_squeeze %dma_start3A_127 : memref<1x16xf32, #tpu.memory_space<vmem>> -> memref<16xf32, #tpu.memory_space<vmem>>
      %dma_start3A_129 = arith.constant 0 : i32
      %dma_start3A_130 = tpu.memref_slice %arg3[%squeeze3A_121, %dma_start3A_129] : memref<1000000x16xf32, #tpu.memory_space<hbm>> -> memref<1x16xf32, #tpu.memory_space<hbm>>
      %dma_start3A_131 = tpu.memref_squeeze %dma_start3A_130 : memref<1x16xf32, #tpu.memory_space<hbm>> -> memref<16xf32, #tpu.memory_space<hbm>>
      %dma_start3A_132 = arith.constant 0 : i32
      %dma_start3A_133 = tpu.memref_slice %arg6[%add3A_125, %dma_start3A_132] : memref<512x16xf32, #tpu.memory_space<vmem>> -> memref<1x16xf32, #tpu.memory_space<vmem>>
      %dma_start3A_134 = tpu.memref_squeeze %dma_start3A_133 : memref<1x16xf32, #tpu.memory_space<vmem>> -> memref<16xf32, #tpu.memory_space<vmem>>
      %dma_start3A_135 = arith.constant 0 : i32
      %dma_start3A_136 = tpu.memref_slice %arg3[%squeeze3A_121, %dma_start3A_135] : memref<1000000x16xf32, #tpu.memory_space<hbm>> -> memref<1x16xf32, #tpu.memory_space<hbm>>
      %dma_start3A_137 = tpu.memref_squeeze %dma_start3A_136 : memref<1x16xf32, #tpu.memory_space<hbm>> -> memref<16xf32, #tpu.memory_space<hbm>>
      tpu.enqueue_dma source(%dma_start3A_137 : memref<16xf32, #tpu.memory_space<hbm>>) target(%dma_start3A_134 : memref<16xf32, #tpu.memory_space<vmem>>) target_semaphore(%arg7 : memref<!tpu.dma_semaphore, #tpu.memory_space<semaphore_mem>>)
      %slice3A_138 = vector.extract_strided_slice %get3A_32 {offsets = [6], sizes = [1], strides = [1]} : vector<16xi32> to vector<1xi32>
      %squeeze3A_139 = vector.extract %slice3A_138[0] : i32 from vector<1xi32>
      %mul3A_140 = arith.constant 16 : i32
      %mul3A_141 = arith.muli %scan3A_28, %mul3A_140 : i32
      %add3A_142 = arith.constant 6 : i32
      %add3A_143 = arith.addi %mul3A_141, %add3A_142 : i32
      %dma_start3A_144 = arith.constant 0 : i32
      %dma_start3A_145 = tpu.memref_slice %arg6[%add3A_143, %dma_start3A_144] : memref<512x16xf32, #tpu.memory_space<vmem>> -> memref<1x16xf32, #tpu.memory_space<vmem>>
      %dma_start3A_146 = tpu.memref_squeeze %dma_start3A_145 : memref<1x16xf32, #tpu.memory_space<vmem>> -> memref<16xf32, #tpu.memory_space<vmem>>
      %dma_start3A_147 = arith.constant 0 : i32
      %dma_start3A_148 = tpu.memref_slice %arg3[%squeeze3A_139, %dma_start3A_147] : memref<1000000x16xf32, #tpu.memory_space<hbm>> -> memref<1x16xf32, #tpu.memory_space<hbm>>
      %dma_start3A_149 = tpu.memref_squeeze %dma_start3A_148 : memref<1x16xf32, #tpu.memory_space<hbm>> -> memref<16xf32, #tpu.memory_space<hbm>>
      %dma_start3A_150 = arith.constant 0 : i32
      %dma_start3A_151 = tpu.memref_slice %arg6[%add3A_143, %dma_start3A_150] : memref<512x16xf32, #tpu.memory_space<vmem>> -> memref<1x16xf32, #tpu.memory_space<vmem>>
      %dma_start3A_152 = tpu.memref_squeeze %dma_start3A_151 : memref<1x16xf32, #tpu.memory_space<vmem>> -> memref<16xf32, #tpu.memory_space<vmem>>
      %dma_start3A_153 = arith.constant 0 : i32
      %dma_start3A_154 = tpu.memref_slice %arg3[%squeeze3A_139, %dma_start3A_153] : memref<1000000x16xf32, #tpu.memory_space<hbm>> -> memref<1x16xf32, #tpu.memory_space<hbm>>
      %dma_start3A_155 = tpu.memref_squeeze %dma_start3A_154 : memref<1x16xf32, #tpu.memory_space<hbm>> -> memref<16xf32, #tpu.memory_space<hbm>>
      tpu.enqueue_dma source(%dma_start3A_155 : memref<16xf32, #tpu.memory_space<hbm>>) target(%dma_start3A_152 : memref<16xf32, #tpu.memory_space<vmem>>) target_semaphore(%arg7 : memref<!tpu.dma_semaphore, #tpu.memory_space<semaphore_mem>>)
      %slice3A_156 = vector.extract_strided_slice %get3A_32 {offsets = [7], sizes = [1], strides = [1]} : vector<16xi32> to vector<1xi32>
      %squeeze3A_157 = vector.extract %slice3A_156[0] : i32 from vector<1xi32>
      %mul3A_158 = arith.constant 16 : i32
      %mul3A_159 = arith.muli %scan3A_28, %mul3A_158 : i32
      %add3A_160 = arith.constant 7 : i32
      %add3A_161 = arith.addi %mul3A_159, %add3A_160 : i32
      %dma_start3A_162 = arith.constant 0 : i32
      %dma_start3A_163 = tpu.memref_slice %arg6[%add3A_161, %dma_start3A_162] : memref<512x16xf32, #tpu.memory_space<vmem>> -> memref<1x16xf32, #tpu.memory_space<vmem>>
      %dma_start3A_164 = tpu.memref_squeeze %dma_start3A_163 : memref<1x16xf32, #tpu.memory_space<vmem>> -> memref<16xf32, #tpu.memory_space<vmem>>
      %dma_start3A_165 = arith.constant 0 : i32
      %dma_start3A_166 = tpu.memref_slice %arg3[%squeeze3A_157, %dma_start3A_165] : memref<1000000x16xf32, #tpu.memory_space<hbm>> -> memref<1x16xf32, #tpu.memory_space<hbm>>
      %dma_start3A_167 = tpu.memref_squeeze %dma_start3A_166 : memref<1x16xf32, #tpu.memory_space<hbm>> -> memref<16xf32, #tpu.memory_space<hbm>>
      %dma_start3A_168 = arith.constant 0 : i32
      %dma_start3A_169 = tpu.memref_slice %arg6[%add3A_161, %dma_start3A_168] : memref<512x16xf32, #tpu.memory_space<vmem>> -> memref<1x16xf32, #tpu.memory_space<vmem>>
      %dma_start3A_170 = tpu.memref_squeeze %dma_start3A_169 : memref<1x16xf32, #tpu.memory_space<vmem>> -> memref<16xf32, #tpu.memory_space<vmem>>
      %dma_start3A_171 = arith.constant 0 : i32
      %dma_start3A_172 = tpu.memref_slice %arg3[%squeeze3A_157, %dma_start3A_171] : memref<1000000x16xf32, #tpu.memory_space<hbm>> -> memref<1x16xf32, #tpu.memory_space<hbm>>
      %dma_start3A_173 = tpu.memref_squeeze %dma_start3A_172 : memref<1x16xf32, #tpu.memory_space<hbm>> -> memref<16xf32, #tpu.memory_space<hbm>>
      tpu.enqueue_dma source(%dma_start3A_173 : memref<16xf32, #tpu.memory_space<hbm>>) target(%dma_start3A_170 : memref<16xf32, #tpu.memory_space<vmem>>) target_semaphore(%arg7 : memref<!tpu.dma_semaphore, #tpu.memory_space<semaphore_mem>>)
      %slice3A_174 = vector.extract_strided_slice %get3A_32 {offsets = [8], sizes = [1], strides = [1]} : vector<16xi32> to vector<1xi32>
      %squeeze3A_175 = vector.extract %slice3A_174[0] : i32 from vector<1xi32>
      %mul3A_176 = arith.constant 16 : i32
      %mul3A_177 = arith.muli %scan3A_28, %mul3A_176 : i32
      %add3A_178 = arith.constant 8 : i32
      %add3A_179 = arith.addi %mul3A_177, %add3A_178 : i32
      %dma_start3A_180 = arith.constant 0 : i32
      %dma_start3A_181 = tpu.memref_slice %arg6[%add3A_179, %dma_start3A_180] : memref<512x16xf32, #tpu.memory_space<vmem>> -> memref<1x16xf32, #tpu.memory_space<vmem>>
      %dma_start3A_182 = tpu.memref_squeeze %dma_start3A_181 : memref<1x16xf32, #tpu.memory_space<vmem>> -> memref<16xf32, #tpu.memory_space<vmem>>
      %dma_start3A_183 = arith.constant 0 : i32
      %dma_start3A_184 = tpu.memref_slice %arg3[%squeeze3A_175, %dma_start3A_183] : memref<1000000x16xf32, #tpu.memory_space<hbm>> -> memref<1x16xf32, #tpu.memory_space<hbm>>
      %dma_start3A_185 = tpu.memref_squeeze %dma_start3A_184 : memref<1x16xf32, #tpu.memory_space<hbm>> -> memref<16xf32, #tpu.memory_space<hbm>>
      %dma_start3A_186 = arith.constant 0 : i32
      %dma_start3A_187 = tpu.memref_slice %arg6[%add3A_179, %dma_start3A_186] : memref<512x16xf32, #tpu.memory_space<vmem>> -> memref<1x16xf32, #tpu.memory_space<vmem>>
      %dma_start3A_188 = tpu.memref_squeeze %dma_start3A_187 : memref<1x16xf32, #tpu.memory_space<vmem>> -> memref<16xf32, #tpu.memory_space<vmem>>
      %dma_start3A_189 = arith.constant 0 : i32
      %dma_start3A_190 = tpu.memref_slice %arg3[%squeeze3A_175, %dma_start3A_189] : memref<1000000x16xf32, #tpu.memory_space<hbm>> -> memref<1x16xf32, #tpu.memory_space<hbm>>
      %dma_start3A_191 = tpu.memref_squeeze %dma_start3A_190 : memref<1x16xf32, #tpu.memory_space<hbm>> -> memref<16xf32, #tpu.memory_space<hbm>>
      tpu.enqueue_dma source(%dma_start3A_191 : memref<16xf32, #tpu.memory_space<hbm>>) target(%dma_start3A_188 : memref<16xf32, #tpu.memory_space<vmem>>) target_semaphore(%arg7 : memref<!tpu.dma_semaphore, #tpu.memory_space<semaphore_mem>>)
      %slice3A_192 = vector.extract_strided_slice %get3A_32 {offsets = [9], sizes = [1], strides = [1]} : vector<16xi32> to vector<1xi32>
      %squeeze3A_193 = vector.extract %slice3A_192[0] : i32 from vector<1xi32>
      %mul3A_194 = arith.constant 16 : i32
      %mul3A_195 = arith.muli %scan3A_28, %mul3A_194 : i32
      %add3A_196 = arith.constant 9 : i32
      %add3A_197 = arith.addi %mul3A_195, %add3A_196 : i32
      %dma_start3A_198 = arith.constant 0 : i32
      %dma_start3A_199 = tpu.memref_slice %arg6[%add3A_197, %dma_start3A_198] : memref<512x16xf32, #tpu.memory_space<vmem>> -> memref<1x16xf32, #tpu.memory_space<vmem>>
      %dma_start3A_200 = tpu.memref_squeeze %dma_start3A_199 : memref<1x16xf32, #tpu.memory_space<vmem>> -> memref<16xf32, #tpu.memory_space<vmem>>
      %dma_start3A_201 = arith.constant 0 : i32
      %dma_start3A_202 = tpu.memref_slice %arg3[%squeeze3A_193, %dma_start3A_201] : memref<1000000x16xf32, #tpu.memory_space<hbm>> -> memref<1x16xf32, #tpu.memory_space<hbm>>
      %dma_start3A_203 = tpu.memref_squeeze %dma_start3A_202 : memref<1x16xf32, #tpu.memory_space<hbm>> -> memref<16xf32, #tpu.memory_space<hbm>>
      %dma_start3A_204 = arith.constant 0 : i32
      %dma_start3A_205 = tpu.memref_slice %arg6[%add3A_197, %dma_start3A_204] : memref<512x16xf32, #tpu.memory_space<vmem>> -> memref<1x16xf32, #tpu.memory_space<vmem>>
      %dma_start3A_206 = tpu.memref_squeeze %dma_start3A_205 : memref<1x16xf32, #tpu.memory_space<vmem>> -> memref<16xf32, #tpu.memory_space<vmem>>
      %dma_start3A_207 = arith.constant 0 : i32
      %dma_start3A_208 = tpu.memref_slice %arg3[%squeeze3A_193, %dma_start3A_207] : memref<1000000x16xf32, #tpu.memory_space<hbm>> -> memref<1x16xf32, #tpu.memory_space<hbm>>
      %dma_start3A_209 = tpu.memref_squeeze %dma_start3A_208 : memref<1x16xf32, #tpu.memory_space<hbm>> -> memref<16xf32, #tpu.memory_space<hbm>>
      tpu.enqueue_dma source(%dma_start3A_209 : memref<16xf32, #tpu.memory_space<hbm>>) target(%dma_start3A_206 : memref<16xf32, #tpu.memory_space<vmem>>) target_semaphore(%arg7 : memref<!tpu.dma_semaphore, #tpu.memory_space<semaphore_mem>>)
      %slice3A_210 = vector.extract_strided_slice %get3A_32 {offsets = [10], sizes = [1], strides = [1]} : vector<16xi32> to vector<1xi32>
      %squeeze3A_211 = vector.extract %slice3A_210[0] : i32 from vector<1xi32>
      %mul3A_212 = arith.constant 16 : i32
      %mul3A_213 = arith.muli %scan3A_28, %mul3A_212 : i32
      %add3A_214 = arith.constant 10 : i32
      %add3A_215 = arith.addi %mul3A_213, %add3A_214 : i32
      %dma_start3A_216 = arith.constant 0 : i32
      %dma_start3A_217 = tpu.memref_slice %arg6[%add3A_215, %dma_start3A_216] : memref<512x16xf32, #tpu.memory_space<vmem>> -> memref<1x16xf32, #tpu.memory_space<vmem>>
      %dma_start3A_218 = tpu.memref_squeeze %dma_start3A_217 : memref<1x16xf32, #tpu.memory_space<vmem>> -> memref<16xf32, #tpu.memory_space<vmem>>
      %dma_start3A_219 = arith.constant 0 : i32
      %dma_start3A_220 = tpu.memref_slice %arg3[%squeeze3A_211, %dma_start3A_219] : memref<1000000x16xf32, #tpu.memory_space<hbm>> -> memref<1x16xf32, #tpu.memory_space<hbm>>
      %dma_start3A_221 = tpu.memref_squeeze %dma_start3A_220 : memref<1x16xf32, #tpu.memory_space<hbm>> -> memref<16xf32, #tpu.memory_space<hbm>>
      %dma_start3A_222 = arith.constant 0 : i32
      %dma_start3A_223 = tpu.memref_slice %arg6[%add3A_215, %dma_start3A_222] : memref<512x16xf32, #tpu.memory_space<vmem>> -> memref<1x16xf32, #tpu.memory_space<vmem>>
      %dma_start3A_224 = tpu.memref_squeeze %dma_start3A_223 : memref<1x16xf32, #tpu.memory_space<vmem>> -> memref<16xf32, #tpu.memory_space<vmem>>
      %dma_start3A_225 = arith.constant 0 : i32
      %dma_start3A_226 = tpu.memref_slice %arg3[%squeeze3A_211, %dma_start3A_225] : memref<1000000x16xf32, #tpu.memory_space<hbm>> -> memref<1x16xf32, #tpu.memory_space<hbm>>
      %dma_start3A_227 = tpu.memref_squeeze %dma_start3A_226 : memref<1x16xf32, #tpu.memory_space<hbm>> -> memref<16xf32, #tpu.memory_space<hbm>>
      tpu.enqueue_dma source(%dma_start3A_227 : memref<16xf32, #tpu.memory_space<hbm>>) target(%dma_start3A_224 : memref<16xf32, #tpu.memory_space<vmem>>) target_semaphore(%arg7 : memref<!tpu.dma_semaphore, #tpu.memory_space<semaphore_mem>>)
      %slice3A_228 = vector.extract_strided_slice %get3A_32 {offsets = [11], sizes = [1], strides = [1]} : vector<16xi32> to vector<1xi32>
      %squeeze3A_229 = vector.extract %slice3A_228[0] : i32 from vector<1xi32>
      %mul3A_230 = arith.constant 16 : i32
      %mul3A_231 = arith.muli %scan3A_28, %mul3A_230 : i32
      %add3A_232 = arith.constant 11 : i32
      %add3A_233 = arith.addi %mul3A_231, %add3A_232 : i32
      %dma_start3A_234 = arith.constant 0 : i32
      %dma_start3A_235 = tpu.memref_slice %arg6[%add3A_233, %dma_start3A_234] : memref<512x16xf32, #tpu.memory_space<vmem>> -> memref<1x16xf32, #tpu.memory_space<vmem>>
      %dma_start3A_236 = tpu.memref_squeeze %dma_start3A_235 : memref<1x16xf32, #tpu.memory_space<vmem>> -> memref<16xf32, #tpu.memory_space<vmem>>
      %dma_start3A_237 = arith.constant 0 : i32
      %dma_start3A_238 = tpu.memref_slice %arg3[%squeeze3A_229, %dma_start3A_237] : memref<1000000x16xf32, #tpu.memory_space<hbm>> -> memref<1x16xf32, #tpu.memory_space<hbm>>
      %dma_start3A_239 = tpu.memref_squeeze %dma_start3A_238 : memref<1x16xf32, #tpu.memory_space<hbm>> -> memref<16xf32, #tpu.memory_space<hbm>>
      %dma_start3A_240 = arith.constant 0 : i32
      %dma_start3A_241 = tpu.memref_slice %arg6[%add3A_233, %dma_start3A_240] : memref<512x16xf32, #tpu.memory_space<vmem>> -> memref<1x16xf32, #tpu.memory_space<vmem>>
      %dma_start3A_242 = tpu.memref_squeeze %dma_start3A_241 : memref<1x16xf32, #tpu.memory_space<vmem>> -> memref<16xf32, #tpu.memory_space<vmem>>
      %dma_start3A_243 = arith.constant 0 : i32
      %dma_start3A_244 = tpu.memref_slice %arg3[%squeeze3A_229, %dma_start3A_243] : memref<1000000x16xf32, #tpu.memory_space<hbm>> -> memref<1x16xf32, #tpu.memory_space<hbm>>
      %dma_start3A_245 = tpu.memref_squeeze %dma_start3A_244 : memref<1x16xf32, #tpu.memory_space<hbm>> -> memref<16xf32, #tpu.memory_space<hbm>>
      tpu.enqueue_dma source(%dma_start3A_245 : memref<16xf32, #tpu.memory_space<hbm>>) target(%dma_start3A_242 : memref<16xf32, #tpu.memory_space<vmem>>) target_semaphore(%arg7 : memref<!tpu.dma_semaphore, #tpu.memory_space<semaphore_mem>>)
      %slice3A_246 = vector.extract_strided_slice %get3A_32 {offsets = [12], sizes = [1], strides = [1]} : vector<16xi32> to vector<1xi32>
      %squeeze3A_247 = vector.extract %slice3A_246[0] : i32 from vector<1xi32>
      %mul3A_248 = arith.constant 16 : i32
      %mul3A_249 = arith.muli %scan3A_28, %mul3A_248 : i32
      %add3A_250 = arith.constant 12 : i32
      %add3A_251 = arith.addi %mul3A_249, %add3A_250 : i32
      %dma_start3A_252 = arith.constant 0 : i32
      %dma_start3A_253 = tpu.memref_slice %arg6[%add3A_251, %dma_start3A_252] : memref<512x16xf32, #tpu.memory_space<vmem>> -> memref<1x16xf32, #tpu.memory_space<vmem>>
      %dma_start3A_254 = tpu.memref_squeeze %dma_start3A_253 : memref<1x16xf32, #tpu.memory_space<vmem>> -> memref<16xf32, #tpu.memory_space<vmem>>
      %dma_start3A_255 = arith.constant 0 : i32
      %dma_start3A_256 = tpu.memref_slice %arg3[%squeeze3A_247, %dma_start3A_255] : memref<1000000x16xf32, #tpu.memory_space<hbm>> -> memref<1x16xf32, #tpu.memory_space<hbm>>
      %dma_start3A_257 = tpu.memref_squeeze %dma_start3A_256 : memref<1x16xf32, #tpu.memory_space<hbm>> -> memref<16xf32, #tpu.memory_space<hbm>>
      %dma_start3A_258 = arith.constant 0 : i32
      %dma_start3A_259 = tpu.memref_slice %arg6[%add3A_251, %dma_start3A_258] : memref<512x16xf32, #tpu.memory_space<vmem>> -> memref<1x16xf32, #tpu.memory_space<vmem>>
      %dma_start3A_260 = tpu.memref_squeeze %dma_start3A_259 : memref<1x16xf32, #tpu.memory_space<vmem>> -> memref<16xf32, #tpu.memory_space<vmem>>
      %dma_start3A_261 = arith.constant 0 : i32
      %dma_start3A_262 = tpu.memref_slice %arg3[%squeeze3A_247, %dma_start3A_261] : memref<1000000x16xf32, #tpu.memory_space<hbm>> -> memref<1x16xf32, #tpu.memory_space<hbm>>
      %dma_start3A_263 = tpu.memref_squeeze %dma_start3A_262 : memref<1x16xf32, #tpu.memory_space<hbm>> -> memref<16xf32, #tpu.memory_space<hbm>>
      tpu.enqueue_dma source(%dma_start3A_263 : memref<16xf32, #tpu.memory_space<hbm>>) target(%dma_start3A_260 : memref<16xf32, #tpu.memory_space<vmem>>) target_semaphore(%arg7 : memref<!tpu.dma_semaphore, #tpu.memory_space<semaphore_mem>>)
      %slice3A_264 = vector.extract_strided_slice %get3A_32 {offsets = [13], sizes = [1], strides = [1]} : vector<16xi32> to vector<1xi32>
      %squeeze3A_265 = vector.extract %slice3A_264[0] : i32 from vector<1xi32>
      %mul3A_266 = arith.constant 16 : i32
      %mul3A_267 = arith.muli %scan3A_28, %mul3A_266 : i32
      %add3A_268 = arith.constant 13 : i32
      %add3A_269 = arith.addi %mul3A_267, %add3A_268 : i32
      %dma_start3A_270 = arith.constant 0 : i32
      %dma_start3A_271 = tpu.memref_slice %arg6[%add3A_269, %dma_start3A_270] : memref<512x16xf32, #tpu.memory_space<vmem>> -> memref<1x16xf32, #tpu.memory_space<vmem>>
      %dma_start3A_272 = tpu.memref_squeeze %dma_start3A_271 : memref<1x16xf32, #tpu.memory_space<vmem>> -> memref<16xf32, #tpu.memory_space<vmem>>
      %dma_start3A_273 = arith.constant 0 : i32
      %dma_start3A_274 = tpu.memref_slice %arg3[%squeeze3A_265, %dma_start3A_273] : memref<1000000x16xf32, #tpu.memory_space<hbm>> -> memref<1x16xf32, #tpu.memory_space<hbm>>
      %dma_start3A_275 = tpu.memref_squeeze %dma_start3A_274 : memref<1x16xf32, #tpu.memory_space<hbm>> -> memref<16xf32, #tpu.memory_space<hbm>>
      %dma_start3A_276 = arith.constant 0 : i32
      %dma_start3A_277 = tpu.memref_slice %arg6[%add3A_269, %dma_start3A_276] : memref<512x16xf32, #tpu.memory_space<vmem>> -> memref<1x16xf32, #tpu.memory_space<vmem>>
      %dma_start3A_278 = tpu.memref_squeeze %dma_start3A_277 : memref<1x16xf32, #tpu.memory_space<vmem>> -> memref<16xf32, #tpu.memory_space<vmem>>
      %dma_start3A_279 = arith.constant 0 : i32
      %dma_start3A_280 = tpu.memref_slice %arg3[%squeeze3A_265, %dma_start3A_279] : memref<1000000x16xf32, #tpu.memory_space<hbm>> -> memref<1x16xf32, #tpu.memory_space<hbm>>
      %dma_start3A_281 = tpu.memref_squeeze %dma_start3A_280 : memref<1x16xf32, #tpu.memory_space<hbm>> -> memref<16xf32, #tpu.memory_space<hbm>>
      tpu.enqueue_dma source(%dma_start3A_281 : memref<16xf32, #tpu.memory_space<hbm>>) target(%dma_start3A_278 : memref<16xf32, #tpu.memory_space<vmem>>) target_semaphore(%arg7 : memref<!tpu.dma_semaphore, #tpu.memory_space<semaphore_mem>>)
      %slice3A_282 = vector.extract_strided_slice %get3A_32 {offsets = [14], sizes = [1], strides = [1]} : vector<16xi32> to vector<1xi32>
      %squeeze3A_283 = vector.extract %slice3A_282[0] : i32 from vector<1xi32>
      %mul3A_284 = arith.constant 16 : i32
      %mul3A_285 = arith.muli %scan3A_28, %mul3A_284 : i32
      %add3A_286 = arith.constant 14 : i32
      %add3A_287 = arith.addi %mul3A_285, %add3A_286 : i32
      %dma_start3A_288 = arith.constant 0 : i32
      %dma_start3A_289 = tpu.memref_slice %arg6[%add3A_287, %dma_start3A_288] : memref<512x16xf32, #tpu.memory_space<vmem>> -> memref<1x16xf32, #tpu.memory_space<vmem>>
      %dma_start3A_290 = tpu.memref_squeeze %dma_start3A_289 : memref<1x16xf32, #tpu.memory_space<vmem>> -> memref<16xf32, #tpu.memory_space<vmem>>
      %dma_start3A_291 = arith.constant 0 : i32
      %dma_start3A_292 = tpu.memref_slice %arg3[%squeeze3A_283, %dma_start3A_291] : memref<1000000x16xf32, #tpu.memory_space<hbm>> -> memref<1x16xf32, #tpu.memory_space<hbm>>
      %dma_start3A_293 = tpu.memref_squeeze %dma_start3A_292 : memref<1x16xf32, #tpu.memory_space<hbm>> -> memref<16xf32, #tpu.memory_space<hbm>>
      %dma_start3A_294 = arith.constant 0 : i32
      %dma_start3A_295 = tpu.memref_slice %arg6[%add3A_287, %dma_start3A_294] : memref<512x16xf32, #tpu.memory_space<vmem>> -> memref<1x16xf32, #tpu.memory_space<vmem>>
      %dma_start3A_296 = tpu.memref_squeeze %dma_start3A_295 : memref<1x16xf32, #tpu.memory_space<vmem>> -> memref<16xf32, #tpu.memory_space<vmem>>
      %dma_start3A_297 = arith.constant 0 : i32
      %dma_start3A_298 = tpu.memref_slice %arg3[%squeeze3A_283, %dma_start3A_297] : memref<1000000x16xf32, #tpu.memory_space<hbm>> -> memref<1x16xf32, #tpu.memory_space<hbm>>
      %dma_start3A_299 = tpu.memref_squeeze %dma_start3A_298 : memref<1x16xf32, #tpu.memory_space<hbm>> -> memref<16xf32, #tpu.memory_space<hbm>>
      tpu.enqueue_dma source(%dma_start3A_299 : memref<16xf32, #tpu.memory_space<hbm>>) target(%dma_start3A_296 : memref<16xf32, #tpu.memory_space<vmem>>) target_semaphore(%arg7 : memref<!tpu.dma_semaphore, #tpu.memory_space<semaphore_mem>>)
      %slice3A_300 = vector.extract_strided_slice %get3A_32 {offsets = [15], sizes = [1], strides = [1]} : vector<16xi32> to vector<1xi32>
      %squeeze3A_301 = vector.extract %slice3A_300[0] : i32 from vector<1xi32>
      %mul3A_302 = arith.constant 16 : i32
      %mul3A_303 = arith.muli %scan3A_28, %mul3A_302 : i32
      %add3A_304 = arith.constant 15 : i32
      %add3A_305 = arith.addi %mul3A_303, %add3A_304 : i32
      %dma_start3A_306 = arith.constant 0 : i32
      %dma_start3A_307 = tpu.memref_slice %arg6[%add3A_305, %dma_start3A_306] : memref<512x16xf32, #tpu.memory_space<vmem>> -> memref<1x16xf32, #tpu.memory_space<vmem>>
      %dma_start3A_308 = tpu.memref_squeeze %dma_start3A_307 : memref<1x16xf32, #tpu.memory_space<vmem>> -> memref<16xf32, #tpu.memory_space<vmem>>
      %dma_start3A_309 = arith.constant 0 : i32
      %dma_start3A_310 = tpu.memref_slice %arg3[%squeeze3A_301, %dma_start3A_309] : memref<1000000x16xf32, #tpu.memory_space<hbm>> -> memref<1x16xf32, #tpu.memory_space<hbm>>
      %dma_start3A_311 = tpu.memref_squeeze %dma_start3A_310 : memref<1x16xf32, #tpu.memory_space<hbm>> -> memref<16xf32, #tpu.memory_space<hbm>>
      %dma_start3A_312 = arith.constant 0 : i32
      %dma_start3A_313 = tpu.memref_slice %arg6[%add3A_305, %dma_start3A_312] : memref<512x16xf32, #tpu.memory_space<vmem>> -> memref<1x16xf32, #tpu.memory_space<vmem>>
      %dma_start3A_314 = tpu.memref_squeeze %dma_start3A_313 : memref<1x16xf32, #tpu.memory_space<vmem>> -> memref<16xf32, #tpu.memory_space<vmem>>
      %dma_start3A_315 = arith.constant 0 : i32
      %dma_start3A_316 = tpu.memref_slice %arg3[%squeeze3A_301, %dma_start3A_315] : memref<1000000x16xf32, #tpu.memory_space<hbm>> -> memref<1x16xf32, #tpu.memory_space<hbm>>
      %dma_start3A_317 = tpu.memref_squeeze %dma_start3A_316 : memref<1x16xf32, #tpu.memory_space<hbm>> -> memref<16xf32, #tpu.memory_space<hbm>>
      tpu.enqueue_dma source(%dma_start3A_317 : memref<16xf32, #tpu.memory_space<hbm>>) target(%dma_start3A_314 : memref<16xf32, #tpu.memory_space<vmem>>) target_semaphore(%arg7 : memref<!tpu.dma_semaphore, #tpu.memory_space<semaphore_mem>>)
      %scan3A_318 = arith.constant 1 : i32
      %scan3A_319 = arith.addi %scan3A_28, %scan3A_318 : i32
      %mul3A_320 = arith.constant 16 : i32
      %mul3A_321 = arith.muli %scan3A_319, %mul3A_320 : i32
      %get3A_322 = arith.index_cast %mul3A_321 : i32 to index
      %get3A_323 = tpu.vector_load %arg5[%get3A_322] {strides = array<i32>} : memref<512xi32, #tpu.memory_space<vmem>>, vector<16xi32>,
      %get3A_324 = vector.shape_cast %get3A_323 : vector<16xi32> to vector<16xi32>
      %slice3A_325 = vector.extract_strided_slice %get3A_324 {offsets = [0], sizes = [1], strides = [1]} : vector<16xi32> to vector<1xi32>
      %squeeze3A_326 = vector.extract %slice3A_325[0] : i32 from vector<1xi32>
      %mul3A_327 = arith.constant 16 : i32
      %mul3A_328 = arith.muli %scan3A_319, %mul3A_327 : i32
      %add3A_329 = arith.constant 0 : i32
      %add3A_330 = arith.addi %mul3A_328, %add3A_329 : i32
      %dma_start3A_331 = arith.constant 0 : i32
      %dma_start3A_332 = tpu.memref_slice %arg6[%add3A_330, %dma_start3A_331] : memref<512x16xf32, #tpu.memory_space<vmem>> -> memref<1x16xf32, #tpu.memory_space<vmem>>
      %dma_start3A_333 = tpu.memref_squeeze %dma_start3A_332 : memref<1x16xf32, #tpu.memory_space<vmem>> -> memref<16xf32, #tpu.memory_space<vmem>>
      %dma_start3A_334 = arith.constant 0 : i32
      %dma_start3A_335 = tpu.memref_slice %arg3[%squeeze3A_326, %dma_start3A_334] : memref<1000000x16xf32, #tpu.memory_space<hbm>> -> memref<1x16xf32, #tpu.memory_space<hbm>>
      %dma_start3A_336 = tpu.memref_squeeze %dma_start3A_335 : memref<1x16xf32, #tpu.memory_space<hbm>> -> memref<16xf32, #tpu.memory_space<hbm>>
      %dma_start3A_337 = arith.constant 0 : i32
      %dma_start3A_338 = tpu.memref_slice %arg6[%add3A_330, %dma_start3A_337] : memref<512x16xf32, #tpu.memory_space<vmem>> -> memref<1x16xf32, #tpu.memory_space<vmem>>
      %dma_start3A_339 = tpu.memref_squeeze %dma_start3A_338 : memref<1x16xf32, #tpu.memory_space<vmem>> -> memref<16xf32, #tpu.memory_space<vmem>>
      %dma_start3A_340 = arith.constant 0 : i32
      %dma_start3A_341 = tpu.memref_slice %arg3[%squeeze3A_326, %dma_start3A_340] : memref<1000000x16xf32, #tpu.memory_space<hbm>> -> memref<1x16xf32, #tpu.memory_space<hbm>>
      %dma_start3A_342 = tpu.memref_squeeze %dma_start3A_341 : memref<1x16xf32, #tpu.memory_space<hbm>> -> memref<16xf32, #tpu.memory_space<hbm>>
      tpu.enqueue_dma source(%dma_start3A_342 : memref<16xf32, #tpu.memory_space<hbm>>) target(%dma_start3A_339 : memref<16xf32, #tpu.memory_space<vmem>>) target_semaphore(%arg7 : memref<!tpu.dma_semaphore, #tpu.memory_space<semaphore_mem>>)
      %slice3A_343 = vector.extract_strided_slice %get3A_324 {offsets = [1], sizes = [1], strides = [1]} : vector<16xi32> to vector<1xi32>
      %squeeze3A_344 = vector.extract %slice3A_343[0] : i32 from vector<1xi32>
      %mul3A_345 = arith.constant 16 : i32
      %mul3A_346 = arith.muli %scan3A_319, %mul3A_345 : i32
      %add3A_347 = arith.constant 1 : i32
      %add3A_348 = arith.addi %mul3A_346, %add3A_347 : i32
      %dma_start3A_349 = arith.constant 0 : i32
      %dma_start3A_350 = tpu.memref_slice %arg6[%add3A_348, %dma_start3A_349] : memref<512x16xf32, #tpu.memory_space<vmem>> -> memref<1x16xf32, #tpu.memory_space<vmem>>
      %dma_start3A_351 = tpu.memref_squeeze %dma_start3A_350 : memref<1x16xf32, #tpu.memory_space<vmem>> -> memref<16xf32, #tpu.memory_space<vmem>>
      %dma_start3A_352 = arith.constant 0 : i32
      %dma_start3A_353 = tpu.memref_slice %arg3[%squeeze3A_344, %dma_start3A_352] : memref<1000000x16xf32, #tpu.memory_space<hbm>> -> memref<1x16xf32, #tpu.memory_space<hbm>>
      %dma_start3A_354 = tpu.memref_squeeze %dma_start3A_353 : memref<1x16xf32, #tpu.memory_space<hbm>> -> memref<16xf32, #tpu.memory_space<hbm>>
      %dma_start3A_355 = arith.constant 0 : i32
      %dma_start3A_356 = tpu.memref_slice %arg6[%add3A_348, %dma_start3A_355] : memref<512x16xf32, #tpu.memory_space<vmem>> -> memref<1x16xf32, #tpu.memory_space<vmem>>
      %dma_start3A_357 = tpu.memref_squeeze %dma_start3A_356 : memref<1x16xf32, #tpu.memory_space<vmem>> -> memref<16xf32, #tpu.memory_space<vmem>>
      %dma_start3A_358 = arith.constant 0 : i32
      %dma_start3A_359 = tpu.memref_slice %arg3[%squeeze3A_344, %dma_start3A_358] : memref<1000000x16xf32, #tpu.memory_space<hbm>> -> memref<1x16xf32, #tpu.memory_space<hbm>>
      %dma_start3A_360 = tpu.memref_squeeze %dma_start3A_359 : memref<1x16xf32, #tpu.memory_space<hbm>> -> memref<16xf32, #tpu.memory_space<hbm>>
      tpu.enqueue_dma source(%dma_start3A_360 : memref<16xf32, #tpu.memory_space<hbm>>) target(%dma_start3A_357 : memref<16xf32, #tpu.memory_space<vmem>>) target_semaphore(%arg7 : memref<!tpu.dma_semaphore, #tpu.memory_space<semaphore_mem>>)
      %slice3A_361 = vector.extract_strided_slice %get3A_324 {offsets = [2], sizes = [1], strides = [1]} : vector<16xi32> to vector<1xi32>
      %squeeze3A_362 = vector.extract %slice3A_361[0] : i32 from vector<1xi32>
      %mul3A_363 = arith.constant 16 : i32
      %mul3A_364 = arith.muli %scan3A_319, %mul3A_363 : i32
      %add3A_365 = arith.constant 2 : i32
      %add3A_366 = arith.addi %mul3A_364, %add3A_365 : i32
      %dma_start3A_367 = arith.constant 0 : i32
      %dma_start3A_368 = tpu.memref_slice %arg6[%add3A_366, %dma_start3A_367] : memref<512x16xf32, #tpu.memory_space<vmem>> -> memref<1x16xf32, #tpu.memory_space<vmem>>
      %dma_start3A_369 = tpu.memref_squeeze %dma_start3A_368 : memref<1x16xf32, #tpu.memory_space<vmem>> -> memref<16xf32, #tpu.memory_space<vmem>>
      %dma_start3A_370 = arith.constant 0 : i32
      %dma_start3A_371 = tpu.memref_slice %arg3[%squeeze3A_362, %dma_start3A_370] : memref<1000000x16xf32, #tpu.memory_space<hbm>> -> memref<1x16xf32, #tpu.memory_space<hbm>>
      %dma_start3A_372 = tpu.memref_squeeze %dma_start3A_371 : memref<1x16xf32, #tpu.memory_space<hbm>> -> memref<16xf32, #tpu.memory_space<hbm>>
      %dma_start3A_373 = arith.constant 0 : i32
      %dma_start3A_374 = tpu.memref_slice %arg6[%add3A_366, %dma_start3A_373] : memref<512x16xf32, #tpu.memory_space<vmem>> -> memref<1x16xf32, #tpu.memory_space<vmem>>
      %dma_start3A_375 = tpu.memref_squeeze %dma_start3A_374 : memref<1x16xf32, #tpu.memory_space<vmem>> -> memref<16xf32, #tpu.memory_space<vmem>>
      %dma_start3A_376 = arith.constant 0 : i32
      %dma_start3A_377 = tpu.memref_slice %arg3[%squeeze3A_362, %dma_start3A_376] : memref<1000000x16xf32, #tpu.memory_space<hbm>> -> memref<1x16xf32, #tpu.memory_space<hbm>>
      %dma_start3A_378 = tpu.memref_squeeze %dma_start3A_377 : memref<1x16xf32, #tpu.memory_space<hbm>> -> memref<16xf32, #tpu.memory_space<hbm>>
      tpu.enqueue_dma source(%dma_start3A_378 : memref<16xf32, #tpu.memory_space<hbm>>) target(%dma_start3A_375 : memref<16xf32, #tpu.memory_space<vmem>>) target_semaphore(%arg7 : memref<!tpu.dma_semaphore, #tpu.memory_space<semaphore_mem>>)
      %slice3A_379 = vector.extract_strided_slice %get3A_324 {offsets = [3], sizes = [1], strides = [1]} : vector<16xi32> to vector<1xi32>
      %squeeze3A_380 = vector.extract %slice3A_379[0] : i32 from vector<1xi32>
      %mul3A_381 = arith.constant 16 : i32
      %mul3A_382 = arith.muli %scan3A_319, %mul3A_381 : i32
      %add3A_383 = arith.constant 3 : i32
      %add3A_384 = arith.addi %mul3A_382, %add3A_383 : i32
      %dma_start3A_385 = arith.constant 0 : i32
      %dma_start3A_386 = tpu.memref_slice %arg6[%add3A_384, %dma_start3A_385] : memref<512x16xf32, #tpu.memory_space<vmem>> -> memref<1x16xf32, #tpu.memory_space<vmem>>
      %dma_start3A_387 = tpu.memref_squeeze %dma_start3A_386 : memref<1x16xf32, #tpu.memory_space<vmem>> -> memref<16xf32, #tpu.memory_space<vmem>>
      %dma_start3A_388 = arith.constant 0 : i32
      %dma_start3A_389 = tpu.memref_slice %arg3[%squeeze3A_380, %dma_start3A_388] : memref<1000000x16xf32, #tpu.memory_space<hbm>> -> memref<1x16xf32, #tpu.memory_space<hbm>>
      %dma_start3A_390 = tpu.memref_squeeze %dma_start3A_389 : memref<1x16xf32, #tpu.memory_space<hbm>> -> memref<16xf32, #tpu.memory_space<hbm>>
      %dma_start3A_391 = arith.constant 0 : i32
      %dma_start3A_392 = tpu.memref_slice %arg6[%add3A_384, %dma_start3A_391] : memref<512x16xf32, #tpu.memory_space<vmem>> -> memref<1x16xf32, #tpu.memory_space<vmem>>
      %dma_start3A_393 = tpu.memref_squeeze %dma_start3A_392 : memref<1x16xf32, #tpu.memory_space<vmem>> -> memref<16xf32, #tpu.memory_space<vmem>>
      %dma_start3A_394 = arith.constant 0 : i32
      %dma_start3A_395 = tpu.memref_slice %arg3[%squeeze3A_380, %dma_start3A_394] : memref<1000000x16xf32, #tpu.memory_space<hbm>> -> memref<1x16xf32, #tpu.memory_space<hbm>>
      %dma_start3A_396 = tpu.memref_squeeze %dma_start3A_395 : memref<1x16xf32, #tpu.memory_space<hbm>> -> memref<16xf32, #tpu.memory_space<hbm>>
      tpu.enqueue_dma source(%dma_start3A_396 : memref<16xf32, #tpu.memory_space<hbm>>) target(%dma_start3A_393 : memref<16xf32, #tpu.memory_space<vmem>>) target_semaphore(%arg7 : memref<!tpu.dma_semaphore, #tpu.memory_space<semaphore_mem>>)
      %slice3A_397 = vector.extract_strided_slice %get3A_324 {offsets = [4], sizes = [1], strides = [1]} : vector<16xi32> to vector<1xi32>
      %squeeze3A_398 = vector.extract %slice3A_397[0] : i32 from vector<1xi32>
      %mul3A_399 = arith.constant 16 : i32
      %mul3A_400 = arith.muli %scan3A_319, %mul3A_399 : i32
      %add3A_401 = arith.constant 4 : i32
      %add3A_402 = arith.addi %mul3A_400, %add3A_401 : i32
      %dma_start3A_403 = arith.constant 0 : i32
      %dma_start3A_404 = tpu.memref_slice %arg6[%add3A_402, %dma_start3A_403] : memref<512x16xf32, #tpu.memory_space<vmem>> -> memref<1x16xf32, #tpu.memory_space<vmem>>
      %dma_start3A_405 = tpu.memref_squeeze %dma_start3A_404 : memref<1x16xf32, #tpu.memory_space<vmem>> -> memref<16xf32, #tpu.memory_space<vmem>>
      %dma_start3A_406 = arith.constant 0 : i32
      %dma_start3A_407 = tpu.memref_slice %arg3[%squeeze3A_398, %dma_start3A_406] : memref<1000000x16xf32, #tpu.memory_space<hbm>> -> memref<1x16xf32, #tpu.memory_space<hbm>>
      %dma_start3A_408 = tpu.memref_squeeze %dma_start3A_407 : memref<1x16xf32, #tpu.memory_space<hbm>> -> memref<16xf32, #tpu.memory_space<hbm>>
      %dma_start3A_409 = arith.constant 0 : i32
      %dma_start3A_410 = tpu.memref_slice %arg6[%add3A_402, %dma_start3A_409] : memref<512x16xf32, #tpu.memory_space<vmem>> -> memref<1x16xf32, #tpu.memory_space<vmem>>
      %dma_start3A_411 = tpu.memref_squeeze %dma_start3A_410 : memref<1x16xf32, #tpu.memory_space<vmem>> -> memref<16xf32, #tpu.memory_space<vmem>>
      %dma_start3A_412 = arith.constant 0 : i32
      %dma_start3A_413 = tpu.memref_slice %arg3[%squeeze3A_398, %dma_start3A_412] : memref<1000000x16xf32, #tpu.memory_space<hbm>> -> memref<1x16xf32, #tpu.memory_space<hbm>>
      %dma_start3A_414 = tpu.memref_squeeze %dma_start3A_413 : memref<1x16xf32, #tpu.memory_space<hbm>> -> memref<16xf32, #tpu.memory_space<hbm>>
      tpu.enqueue_dma source(%dma_start3A_414 : memref<16xf32, #tpu.memory_space<hbm>>) target(%dma_start3A_411 : memref<16xf32, #tpu.memory_space<vmem>>) target_semaphore(%arg7 : memref<!tpu.dma_semaphore, #tpu.memory_space<semaphore_mem>>)
      %slice3A_415 = vector.extract_strided_slice %get3A_324 {offsets = [5], sizes = [1], strides = [1]} : vector<16xi32> to vector<1xi32>
      %squeeze3A_416 = vector.extract %slice3A_415[0] : i32 from vector<1xi32>
      %mul3A_417 = arith.constant 16 : i32
      %mul3A_418 = arith.muli %scan3A_319, %mul3A_417 : i32
      %add3A_419 = arith.constant 5 : i32
      %add3A_420 = arith.addi %mul3A_418, %add3A_419 : i32
      %dma_start3A_421 = arith.constant 0 : i32
      %dma_start3A_422 = tpu.memref_slice %arg6[%add3A_420, %dma_start3A_421] : memref<512x16xf32, #tpu.memory_space<vmem>> -> memref<1x16xf32, #tpu.memory_space<vmem>>
      %dma_start3A_423 = tpu.memref_squeeze %dma_start3A_422 : memref<1x16xf32, #tpu.memory_space<vmem>> -> memref<16xf32, #tpu.memory_space<vmem>>
      %dma_start3A_424 = arith.constant 0 : i32
      %dma_start3A_425 = tpu.memref_slice %arg3[%squeeze3A_416, %dma_start3A_424] : memref<1000000x16xf32, #tpu.memory_space<hbm>> -> memref<1x16xf32, #tpu.memory_space<hbm>>
      %dma_start3A_426 = tpu.memref_squeeze %dma_start3A_425 : memref<1x16xf32, #tpu.memory_space<hbm>> -> memref<16xf32, #tpu.memory_space<hbm>>
      %dma_start3A_427 = arith.constant 0 : i32
      %dma_start3A_428 = tpu.memref_slice %arg6[%add3A_420, %dma_start3A_427] : memref<512x16xf32, #tpu.memory_space<vmem>> -> memref<1x16xf32, #tpu.memory_space<vmem>>
      %dma_start3A_429 = tpu.memref_squeeze %dma_start3A_428 : memref<1x16xf32, #tpu.memory_space<vmem>> -> memref<16xf32, #tpu.memory_space<vmem>>
      %dma_start3A_430 = arith.constant 0 : i32
      %dma_start3A_431 = tpu.memref_slice %arg3[%squeeze3A_416, %dma_start3A_430] : memref<1000000x16xf32, #tpu.memory_space<hbm>> -> memref<1x16xf32, #tpu.memory_space<hbm>>
      %dma_start3A_432 = tpu.memref_squeeze %dma_start3A_431 : memref<1x16xf32, #tpu.memory_space<hbm>> -> memref<16xf32, #tpu.memory_space<hbm>>
      tpu.enqueue_dma source(%dma_start3A_432 : memref<16xf32, #tpu.memory_space<hbm>>) target(%dma_start3A_429 : memref<16xf32, #tpu.memory_space<vmem>>) target_semaphore(%arg7 : memref<!tpu.dma_semaphore, #tpu.memory_space<semaphore_mem>>)
      %slice3A_433 = vector.extract_strided_slice %get3A_324 {offsets = [6], sizes = [1], strides = [1]} : vector<16xi32> to vector<1xi32>
      %squeeze3A_434 = vector.extract %slice3A_433[0] : i32 from vector<1xi32>
      %mul3A_435 = arith.constant 16 : i32
      %mul3A_436 = arith.muli %scan3A_319, %mul3A_435 : i32
      %add3A_437 = arith.constant 6 : i32
      %add3A_438 = arith.addi %mul3A_436, %add3A_437 : i32
      %dma_start3A_439 = arith.constant 0 : i32
      %dma_start3A_440 = tpu.memref_slice %arg6[%add3A_438, %dma_start3A_439] : memref<512x16xf32, #tpu.memory_space<vmem>> -> memref<1x16xf32, #tpu.memory_space<vmem>>
      %dma_start3A_441 = tpu.memref_squeeze %dma_start3A_440 : memref<1x16xf32, #tpu.memory_space<vmem>> -> memref<16xf32, #tpu.memory_space<vmem>>
      %dma_start3A_442 = arith.constant 0 : i32
      %dma_start3A_443 = tpu.memref_slice %arg3[%squeeze3A_434, %dma_start3A_442] : memref<1000000x16xf32, #tpu.memory_space<hbm>> -> memref<1x16xf32, #tpu.memory_space<hbm>>
      %dma_start3A_444 = tpu.memref_squeeze %dma_start3A_443 : memref<1x16xf32, #tpu.memory_space<hbm>> -> memref<16xf32, #tpu.memory_space<hbm>>
      %dma_start3A_445 = arith.constant 0 : i32
      %dma_start3A_446 = tpu.memref_slice %arg6[%add3A_438, %dma_start3A_445] : memref<512x16xf32, #tpu.memory_space<vmem>> -> memref<1x16xf32, #tpu.memory_space<vmem>>
      %dma_start3A_447 = tpu.memref_squeeze %dma_start3A_446 : memref<1x16xf32, #tpu.memory_space<vmem>> -> memref<16xf32, #tpu.memory_space<vmem>>
      %dma_start3A_448 = arith.constant 0 : i32
      %dma_start3A_449 = tpu.memref_slice %arg3[%squeeze3A_434, %dma_start3A_448] : memref<1000000x16xf32, #tpu.memory_space<hbm>> -> memref<1x16xf32, #tpu.memory_space<hbm>>
      %dma_start3A_450 = tpu.memref_squeeze %dma_start3A_449 : memref<1x16xf32, #tpu.memory_space<hbm>> -> memref<16xf32, #tpu.memory_space<hbm>>
      tpu.enqueue_dma source(%dma_start3A_450 : memref<16xf32, #tpu.memory_space<hbm>>) target(%dma_start3A_447 : memref<16xf32, #tpu.memory_space<vmem>>) target_semaphore(%arg7 : memref<!tpu.dma_semaphore, #tpu.memory_space<semaphore_mem>>)
      %slice3A_451 = vector.extract_strided_slice %get3A_324 {offsets = [7], sizes = [1], strides = [1]} : vector<16xi32> to vector<1xi32>
      %squeeze3A_452 = vector.extract %slice3A_451[0] : i32 from vector<1xi32>
      %mul3A_453 = arith.constant 16 : i32
      %mul3A_454 = arith.muli %scan3A_319, %mul3A_453 : i32
      %add3A_455 = arith.constant 7 : i32
      %add3A_456 = arith.addi %mul3A_454, %add3A_455 : i32
      %dma_start3A_457 = arith.constant 0 : i32
      %dma_start3A_458 = tpu.memref_slice %arg6[%add3A_456, %dma_start3A_457] : memref<512x16xf32, #tpu.memory_space<vmem>> -> memref<1x16xf32, #tpu.memory_space<vmem>>
      %dma_start3A_459 = tpu.memref_squeeze %dma_start3A_458 : memref<1x16xf32, #tpu.memory_space<vmem>> -> memref<16xf32, #tpu.memory_space<vmem>>
      %dma_start3A_460 = arith.constant 0 : i32
      %dma_start3A_461 = tpu.memref_slice %arg3[%squeeze3A_452, %dma_start3A_460] : memref<1000000x16xf32, #tpu.memory_space<hbm>> -> memref<1x16xf32, #tpu.memory_space<hbm>>
      %dma_start3A_462 = tpu.memref_squeeze %dma_start3A_461 : memref<1x16xf32, #tpu.memory_space<hbm>> -> memref<16xf32, #tpu.memory_space<hbm>>
      %dma_start3A_463 = arith.constant 0 : i32
      %dma_start3A_464 = tpu.memref_slice %arg6[%add3A_456, %dma_start3A_463] : memref<512x16xf32, #tpu.memory_space<vmem>> -> memref<1x16xf32, #tpu.memory_space<vmem>>
      %dma_start3A_465 = tpu.memref_squeeze %dma_start3A_464 : memref<1x16xf32, #tpu.memory_space<vmem>> -> memref<16xf32, #tpu.memory_space<vmem>>
      %dma_start3A_466 = arith.constant 0 : i32
      %dma_start3A_467 = tpu.memref_slice %arg3[%squeeze3A_452, %dma_start3A_466] : memref<1000000x16xf32, #tpu.memory_space<hbm>> -> memref<1x16xf32, #tpu.memory_space<hbm>>
      %dma_start3A_468 = tpu.memref_squeeze %dma_start3A_467 : memref<1x16xf32, #tpu.memory_space<hbm>> -> memref<16xf32, #tpu.memory_space<hbm>>
      tpu.enqueue_dma source(%dma_start3A_468 : memref<16xf32, #tpu.memory_space<hbm>>) target(%dma_start3A_465 : memref<16xf32, #tpu.memory_space<vmem>>) target_semaphore(%arg7 : memref<!tpu.dma_semaphore, #tpu.memory_space<semaphore_mem>>)
      %slice3A_469 = vector.extract_strided_slice %get3A_324 {offsets = [8], sizes = [1], strides = [1]} : vector<16xi32> to vector<1xi32>
      %squeeze3A_470 = vector.extract %slice3A_469[0] : i32 from vector<1xi32>
      %mul3A_471 = arith.constant 16 : i32
      %mul3A_472 = arith.muli %scan3A_319, %mul3A_471 : i32
      %add3A_473 = arith.constant 8 : i32
      %add3A_474 = arith.addi %mul3A_472, %add3A_473 : i32
      %dma_start3A_475 = arith.constant 0 : i32
      %dma_start3A_476 = tpu.memref_slice %arg6[%add3A_474, %dma_start3A_475] : memref<512x16xf32, #tpu.memory_space<vmem>> -> memref<1x16xf32, #tpu.memory_space<vmem>>
      %dma_start3A_477 = tpu.memref_squeeze %dma_start3A_476 : memref<1x16xf32, #tpu.memory_space<vmem>> -> memref<16xf32, #tpu.memory_space<vmem>>
      %dma_start3A_478 = arith.constant 0 : i32
      %dma_start3A_479 = tpu.memref_slice %arg3[%squeeze3A_470, %dma_start3A_478] : memref<1000000x16xf32, #tpu.memory_space<hbm>> -> memref<1x16xf32, #tpu.memory_space<hbm>>
      %dma_start3A_480 = tpu.memref_squeeze %dma_start3A_479 : memref<1x16xf32, #tpu.memory_space<hbm>> -> memref<16xf32, #tpu.memory_space<hbm>>
      %dma_start3A_481 = arith.constant 0 : i32
      %dma_start3A_482 = tpu.memref_slice %arg6[%add3A_474, %dma_start3A_481] : memref<512x16xf32, #tpu.memory_space<vmem>> -> memref<1x16xf32, #tpu.memory_space<vmem>>
      %dma_start3A_483 = tpu.memref_squeeze %dma_start3A_482 : memref<1x16xf32, #tpu.memory_space<vmem>> -> memref<16xf32, #tpu.memory_space<vmem>>
      %dma_start3A_484 = arith.constant 0 : i32
      %dma_start3A_485 = tpu.memref_slice %arg3[%squeeze3A_470, %dma_start3A_484] : memref<1000000x16xf32, #tpu.memory_space<hbm>> -> memref<1x16xf32, #tpu.memory_space<hbm>>
      %dma_start3A_486 = tpu.memref_squeeze %dma_start3A_485 : memref<1x16xf32, #tpu.memory_space<hbm>> -> memref<16xf32, #tpu.memory_space<hbm>>
      tpu.enqueue_dma source(%dma_start3A_486 : memref<16xf32, #tpu.memory_space<hbm>>) target(%dma_start3A_483 : memref<16xf32, #tpu.memory_space<vmem>>) target_semaphore(%arg7 : memref<!tpu.dma_semaphore, #tpu.memory_space<semaphore_mem>>)
      %slice3A_487 = vector.extract_strided_slice %get3A_324 {offsets = [9], sizes = [1], strides = [1]} : vector<16xi32> to vector<1xi32>
      %squeeze3A_488 = vector.extract %slice3A_487[0] : i32 from vector<1xi32>
      %mul3A_489 = arith.constant 16 : i32
      %mul3A_490 = arith.muli %scan3A_319, %mul3A_489 : i32
      %add3A_491 = arith.constant 9 : i32
      %add3A_492 = arith.addi %mul3A_490, %add3A_491 : i32
      %dma_start3A_493 = arith.constant 0 : i32
      %dma_start3A_494 = tpu.memref_slice %arg6[%add3A_492, %dma_start3A_493] : memref<512x16xf32, #tpu.memory_space<vmem>> -> memref<1x16xf32, #tpu.memory_space<vmem>>
      %dma_start3A_495 = tpu.memref_squeeze %dma_start3A_494 : memref<1x16xf32, #tpu.memory_space<vmem>> -> memref<16xf32, #tpu.memory_space<vmem>>
      %dma_start3A_496 = arith.constant 0 : i32
      %dma_start3A_497 = tpu.memref_slice %arg3[%squeeze3A_488, %dma_start3A_496] : memref<1000000x16xf32, #tpu.memory_space<hbm>> -> memref<1x16xf32, #tpu.memory_space<hbm>>
      %dma_start3A_498 = tpu.memref_squeeze %dma_start3A_497 : memref<1x16xf32, #tpu.memory_space<hbm>> -> memref<16xf32, #tpu.memory_space<hbm>>
      %dma_start3A_499 = arith.constant 0 : i32
      %dma_start3A_500 = tpu.memref_slice %arg6[%add3A_492, %dma_start3A_499] : memref<512x16xf32, #tpu.memory_space<vmem>> -> memref<1x16xf32, #tpu.memory_space<vmem>>
      %dma_start3A_501 = tpu.memref_squeeze %dma_start3A_500 : memref<1x16xf32, #tpu.memory_space<vmem>> -> memref<16xf32, #tpu.memory_space<vmem>>
      %dma_start3A_502 = arith.constant 0 : i32
      %dma_start3A_503 = tpu.memref_slice %arg3[%squeeze3A_488, %dma_start3A_502] : memref<1000000x16xf32, #tpu.memory_space<hbm>> -> memref<1x16xf32, #tpu.memory_space<hbm>>
      %dma_start3A_504 = tpu.memref_squeeze %dma_start3A_503 : memref<1x16xf32, #tpu.memory_space<hbm>> -> memref<16xf32, #tpu.memory_space<hbm>>
      tpu.enqueue_dma source(%dma_start3A_504 : memref<16xf32, #tpu.memory_space<hbm>>) target(%dma_start3A_501 : memref<16xf32, #tpu.memory_space<vmem>>) target_semaphore(%arg7 : memref<!tpu.dma_semaphore, #tpu.memory_space<semaphore_mem>>)
      %slice3A_505 = vector.extract_strided_slice %get3A_324 {offsets = [10], sizes = [1], strides = [1]} : vector<16xi32> to vector<1xi32>
      %squeeze3A_506 = vector.extract %slice3A_505[0] : i32 from vector<1xi32>
      %mul3A_507 = arith.constant 16 : i32
      %mul3A_508 = arith.muli %scan3A_319, %mul3A_507 : i32
      %add3A_509 = arith.constant 10 : i32
      %add3A_510 = arith.addi %mul3A_508, %add3A_509 : i32
      %dma_start3A_511 = arith.constant 0 : i32
      %dma_start3A_512 = tpu.memref_slice %arg6[%add3A_510, %dma_start3A_511] : memref<512x16xf32, #tpu.memory_space<vmem>> -> memref<1x16xf32, #tpu.memory_space<vmem>>
      %dma_start3A_513 = tpu.memref_squeeze %dma_start3A_512 : memref<1x16xf32, #tpu.memory_space<vmem>> -> memref<16xf32, #tpu.memory_space<vmem>>
      %dma_start3A_514 = arith.constant 0 : i32
      %dma_start3A_515 = tpu.memref_slice %arg3[%squeeze3A_506, %dma_start3A_514] : memref<1000000x16xf32, #tpu.memory_space<hbm>> -> memref<1x16xf32, #tpu.memory_space<hbm>>
      %dma_start3A_516 = tpu.memref_squeeze %dma_start3A_515 : memref<1x16xf32, #tpu.memory_space<hbm>> -> memref<16xf32, #tpu.memory_space<hbm>>
      %dma_start3A_517 = arith.constant 0 : i32
      %dma_start3A_518 = tpu.memref_slice %arg6[%add3A_510, %dma_start3A_517] : memref<512x16xf32, #tpu.memory_space<vmem>> -> memref<1x16xf32, #tpu.memory_space<vmem>>
      %dma_start3A_519 = tpu.memref_squeeze %dma_start3A_518 : memref<1x16xf32, #tpu.memory_space<vmem>> -> memref<16xf32, #tpu.memory_space<vmem>>
      %dma_start3A_520 = arith.constant 0 : i32
      %dma_start3A_521 = tpu.memref_slice %arg3[%squeeze3A_506, %dma_start3A_520] : memref<1000000x16xf32, #tpu.memory_space<hbm>> -> memref<1x16xf32, #tpu.memory_space<hbm>>
      %dma_start3A_522 = tpu.memref_squeeze %dma_start3A_521 : memref<1x16xf32, #tpu.memory_space<hbm>> -> memref<16xf32, #tpu.memory_space<hbm>>
      tpu.enqueue_dma source(%dma_start3A_522 : memref<16xf32, #tpu.memory_space<hbm>>) target(%dma_start3A_519 : memref<16xf32, #tpu.memory_space<vmem>>) target_semaphore(%arg7 : memref<!tpu.dma_semaphore, #tpu.memory_space<semaphore_mem>>)
      %slice3A_523 = vector.extract_strided_slice %get3A_324 {offsets = [11], sizes = [1], strides = [1]} : vector<16xi32> to vector<1xi32>
      %squeeze3A_524 = vector.extract %slice3A_523[0] : i32 from vector<1xi32>
      %mul3A_525 = arith.constant 16 : i32
      %mul3A_526 = arith.muli %scan3A_319, %mul3A_525 : i32
      %add3A_527 = arith.constant 11 : i32
      %add3A_528 = arith.addi %mul3A_526, %add3A_527 : i32
      %dma_start3A_529 = arith.constant 0 : i32
      %dma_start3A_530 = tpu.memref_slice %arg6[%add3A_528, %dma_start3A_529] : memref<512x16xf32, #tpu.memory_space<vmem>> -> memref<1x16xf32, #tpu.memory_space<vmem>>
      %dma_start3A_531 = tpu.memref_squeeze %dma_start3A_530 : memref<1x16xf32, #tpu.memory_space<vmem>> -> memref<16xf32, #tpu.memory_space<vmem>>
      %dma_start3A_532 = arith.constant 0 : i32
      %dma_start3A_533 = tpu.memref_slice %arg3[%squeeze3A_524, %dma_start3A_532] : memref<1000000x16xf32, #tpu.memory_space<hbm>> -> memref<1x16xf32, #tpu.memory_space<hbm>>
      %dma_start3A_534 = tpu.memref_squeeze %dma_start3A_533 : memref<1x16xf32, #tpu.memory_space<hbm>> -> memref<16xf32, #tpu.memory_space<hbm>>
      %dma_start3A_535 = arith.constant 0 : i32
      %dma_start3A_536 = tpu.memref_slice %arg6[%add3A_528, %dma_start3A_535] : memref<512x16xf32, #tpu.memory_space<vmem>> -> memref<1x16xf32, #tpu.memory_space<vmem>>
      %dma_start3A_537 = tpu.memref_squeeze %dma_start3A_536 : memref<1x16xf32, #tpu.memory_space<vmem>> -> memref<16xf32, #tpu.memory_space<vmem>>
      %dma_start3A_538 = arith.constant 0 : i32
      %dma_start3A_539 = tpu.memref_slice %arg3[%squeeze3A_524, %dma_start3A_538] : memref<1000000x16xf32, #tpu.memory_space<hbm>> -> memref<1x16xf32, #tpu.memory_space<hbm>>
      %dma_start3A_540 = tpu.memref_squeeze %dma_start3A_539 : memref<1x16xf32, #tpu.memory_space<hbm>> -> memref<16xf32, #tpu.memory_space<hbm>>
      tpu.enqueue_dma source(%dma_start3A_540 : memref<16xf32, #tpu.memory_space<hbm>>) target(%dma_start3A_537 : memref<16xf32, #tpu.memory_space<vmem>>) target_semaphore(%arg7 : memref<!tpu.dma_semaphore, #tpu.memory_space<semaphore_mem>>)
      %slice3A_541 = vector.extract_strided_slice %get3A_324 {offsets = [12], sizes = [1], strides = [1]} : vector<16xi32> to vector<1xi32>
      %squeeze3A_542 = vector.extract %slice3A_541[0] : i32 from vector<1xi32>
      %mul3A_543 = arith.constant 16 : i32
      %mul3A_544 = arith.muli %scan3A_319, %mul3A_543 : i32
      %add3A_545 = arith.constant 12 : i32
      %add3A_546 = arith.addi %mul3A_544, %add3A_545 : i32
      %dma_start3A_547 = arith.constant 0 : i32
      %dma_start3A_548 = tpu.memref_slice %arg6[%add3A_546, %dma_start3A_547] : memref<512x16xf32, #tpu.memory_space<vmem>> -> memref<1x16xf32, #tpu.memory_space<vmem>>
      %dma_start3A_549 = tpu.memref_squeeze %dma_start3A_548 : memref<1x16xf32, #tpu.memory_space<vmem>> -> memref<16xf32, #tpu.memory_space<vmem>>
      %dma_start3A_550 = arith.constant 0 : i32
      %dma_start3A_551 = tpu.memref_slice %arg3[%squeeze3A_542, %dma_start3A_550] : memref<1000000x16xf32, #tpu.memory_space<hbm>> -> memref<1x16xf32, #tpu.memory_space<hbm>>
      %dma_start3A_552 = tpu.memref_squeeze %dma_start3A_551 : memref<1x16xf32, #tpu.memory_space<hbm>> -> memref<16xf32, #tpu.memory_space<hbm>>
      %dma_start3A_553 = arith.constant 0 : i32
      %dma_start3A_554 = tpu.memref_slice %arg6[%add3A_546, %dma_start3A_553] : memref<512x16xf32, #tpu.memory_space<vmem>> -> memref<1x16xf32, #tpu.memory_space<vmem>>
      %dma_start3A_555 = tpu.memref_squeeze %dma_start3A_554 : memref<1x16xf32, #tpu.memory_space<vmem>> -> memref<16xf32, #tpu.memory_space<vmem>>
      %dma_start3A_556 = arith.constant 0 : i32
      %dma_start3A_557 = tpu.memref_slice %arg3[%squeeze3A_542, %dma_start3A_556] : memref<1000000x16xf32, #tpu.memory_space<hbm>> -> memref<1x16xf32, #tpu.memory_space<hbm>>
      %dma_start3A_558 = tpu.memref_squeeze %dma_start3A_557 : memref<1x16xf32, #tpu.memory_space<hbm>> -> memref<16xf32, #tpu.memory_space<hbm>>
      tpu.enqueue_dma source(%dma_start3A_558 : memref<16xf32, #tpu.memory_space<hbm>>) target(%dma_start3A_555 : memref<16xf32, #tpu.memory_space<vmem>>) target_semaphore(%arg7 : memref<!tpu.dma_semaphore, #tpu.memory_space<semaphore_mem>>)
      %slice3A_559 = vector.extract_strided_slice %get3A_324 {offsets = [13], sizes = [1], strides = [1]} : vector<16xi32> to vector<1xi32>
      %squeeze3A_560 = vector.extract %slice3A_559[0] : i32 from vector<1xi32>
      %mul3A_561 = arith.constant 16 : i32
      %mul3A_562 = arith.muli %scan3A_319, %mul3A_561 : i32
      %add3A_563 = arith.constant 13 : i32
      %add3A_564 = arith.addi %mul3A_562, %add3A_563 : i32
      %dma_start3A_565 = arith.constant 0 : i32
      %dma_start3A_566 = tpu.memref_slice %arg6[%add3A_564, %dma_start3A_565] : memref<512x16xf32, #tpu.memory_space<vmem>> -> memref<1x16xf32, #tpu.memory_space<vmem>>
      %dma_start3A_567 = tpu.memref_squeeze %dma_start3A_566 : memref<1x16xf32, #tpu.memory_space<vmem>> -> memref<16xf32, #tpu.memory_space<vmem>>
      %dma_start3A_568 = arith.constant 0 : i32
      %dma_start3A_569 = tpu.memref_slice %arg3[%squeeze3A_560, %dma_start3A_568] : memref<1000000x16xf32, #tpu.memory_space<hbm>> -> memref<1x16xf32, #tpu.memory_space<hbm>>
      %dma_start3A_570 = tpu.memref_squeeze %dma_start3A_569 : memref<1x16xf32, #tpu.memory_space<hbm>> -> memref<16xf32, #tpu.memory_space<hbm>>
      %dma_start3A_571 = arith.constant 0 : i32
      %dma_start3A_572 = tpu.memref_slice %arg6[%add3A_564, %dma_start3A_571] : memref<512x16xf32, #tpu.memory_space<vmem>> -> memref<1x16xf32, #tpu.memory_space<vmem>>
      %dma_start3A_573 = tpu.memref_squeeze %dma_start3A_572 : memref<1x16xf32, #tpu.memory_space<vmem>> -> memref<16xf32, #tpu.memory_space<vmem>>
      %dma_start3A_574 = arith.constant 0 : i32
      %dma_start3A_575 = tpu.memref_slice %arg3[%squeeze3A_560, %dma_start3A_574] : memref<1000000x16xf32, #tpu.memory_space<hbm>> -> memref<1x16xf32, #tpu.memory_space<hbm>>
      %dma_start3A_576 = tpu.memref_squeeze %dma_start3A_575 : memref<1x16xf32, #tpu.memory_space<hbm>> -> memref<16xf32, #tpu.memory_space<hbm>>
      tpu.enqueue_dma source(%dma_start3A_576 : memref<16xf32, #tpu.memory_space<hbm>>) target(%dma_start3A_573 : memref<16xf32, #tpu.memory_space<vmem>>) target_semaphore(%arg7 : memref<!tpu.dma_semaphore, #tpu.memory_space<semaphore_mem>>)
      %slice3A_577 = vector.extract_strided_slice %get3A_324 {offsets = [14], sizes = [1], strides = [1]} : vector<16xi32> to vector<1xi32>
      %squeeze3A_578 = vector.extract %slice3A_577[0] : i32 from vector<1xi32>
      %mul3A_579 = arith.constant 16 : i32
      %mul3A_580 = arith.muli %scan3A_319, %mul3A_579 : i32
      %add3A_581 = arith.constant 14 : i32
      %add3A_582 = arith.addi %mul3A_580, %add3A_581 : i32
      %dma_start3A_583 = arith.constant 0 : i32
      %dma_start3A_584 = tpu.memref_slice %arg6[%add3A_582, %dma_start3A_583] : memref<512x16xf32, #tpu.memory_space<vmem>> -> memref<1x16xf32, #tpu.memory_space<vmem>>
      %dma_start3A_585 = tpu.memref_squeeze %dma_start3A_584 : memref<1x16xf32, #tpu.memory_space<vmem>> -> memref<16xf32, #tpu.memory_space<vmem>>
      %dma_start3A_586 = arith.constant 0 : i32
      %dma_start3A_587 = tpu.memref_slice %arg3[%squeeze3A_578, %dma_start3A_586] : memref<1000000x16xf32, #tpu.memory_space<hbm>> -> memref<1x16xf32, #tpu.memory_space<hbm>>
      %dma_start3A_588 = tpu.memref_squeeze %dma_start3A_587 : memref<1x16xf32, #tpu.memory_space<hbm>> -> memref<16xf32, #tpu.memory_space<hbm>>
      %dma_start3A_589 = arith.constant 0 : i32
      %dma_start3A_590 = tpu.memref_slice %arg6[%add3A_582, %dma_start3A_589] : memref<512x16xf32, #tpu.memory_space<vmem>> -> memref<1x16xf32, #tpu.memory_space<vmem>>
      %dma_start3A_591 = tpu.memref_squeeze %dma_start3A_590 : memref<1x16xf32, #tpu.memory_space<vmem>> -> memref<16xf32, #tpu.memory_space<vmem>>
      %dma_start3A_592 = arith.constant 0 : i32
      %dma_start3A_593 = tpu.memref_slice %arg3[%squeeze3A_578, %dma_start3A_592] : memref<1000000x16xf32, #tpu.memory_space<hbm>> -> memref<1x16xf32, #tpu.memory_space<hbm>>
      %dma_start3A_594 = tpu.memref_squeeze %dma_start3A_593 : memref<1x16xf32, #tpu.memory_space<hbm>> -> memref<16xf32, #tpu.memory_space<hbm>>
      tpu.enqueue_dma source(%dma_start3A_594 : memref<16xf32, #tpu.memory_space<hbm>>) target(%dma_start3A_591 : memref<16xf32, #tpu.memory_space<vmem>>) target_semaphore(%arg7 : memref<!tpu.dma_semaphore, #tpu.memory_space<semaphore_mem>>)
      %slice3A_595 = vector.extract_strided_slice %get3A_324 {offsets = [15], sizes = [1], strides = [1]} : vector<16xi32> to vector<1xi32>
      %squeeze3A_596 = vector.extract %slice3A_595[0] : i32 from vector<1xi32>
      %mul3A_597 = arith.constant 16 : i32
      %mul3A_598 = arith.muli %scan3A_319, %mul3A_597 : i32
      %add3A_599 = arith.constant 15 : i32
      %add3A_600 = arith.addi %mul3A_598, %add3A_599 : i32
      %dma_start3A_601 = arith.constant 0 : i32
      %dma_start3A_602 = tpu.memref_slice %arg6[%add3A_600, %dma_start3A_601] : memref<512x16xf32, #tpu.memory_space<vmem>> -> memref<1x16xf32, #tpu.memory_space<vmem>>
      %dma_start3A_603 = tpu.memref_squeeze %dma_start3A_602 : memref<1x16xf32, #tpu.memory_space<vmem>> -> memref<16xf32, #tpu.memory_space<vmem>>
      %dma_start3A_604 = arith.constant 0 : i32
      %dma_start3A_605 = tpu.memref_slice %arg3[%squeeze3A_596, %dma_start3A_604] : memref<1000000x16xf32, #tpu.memory_space<hbm>> -> memref<1x16xf32, #tpu.memory_space<hbm>>
      %dma_start3A_606 = tpu.memref_squeeze %dma_start3A_605 : memref<1x16xf32, #tpu.memory_space<hbm>> -> memref<16xf32, #tpu.memory_space<hbm>>
      %dma_start3A_607 = arith.constant 0 : i32
      %dma_start3A_608 = tpu.memref_slice %arg6[%add3A_600, %dma_start3A_607] : memref<512x16xf32, #tpu.memory_space<vmem>> -> memref<1x16xf32, #tpu.memory_space<vmem>>
      %dma_start3A_609 = tpu.memref_squeeze %dma_start3A_608 : memref<1x16xf32, #tpu.memory_space<vmem>> -> memref<16xf32, #tpu.memory_space<vmem>>
      %dma_start3A_610 = arith.constant 0 : i32
      %dma_start3A_611 = tpu.memref_slice %arg3[%squeeze3A_596, %dma_start3A_610] : memref<1000000x16xf32, #tpu.memory_space<hbm>> -> memref<1x16xf32, #tpu.memory_space<hbm>>
      %dma_start3A_612 = tpu.memref_squeeze %dma_start3A_611 : memref<1x16xf32, #tpu.memory_space<hbm>> -> memref<16xf32, #tpu.memory_space<hbm>>
      tpu.enqueue_dma source(%dma_start3A_612 : memref<16xf32, #tpu.memory_space<hbm>>) target(%dma_start3A_609 : memref<16xf32, #tpu.memory_space<vmem>>) target_semaphore(%arg7 : memref<!tpu.dma_semaphore, #tpu.memory_space<semaphore_mem>>)
    }
    %scan3A_6 = arith.constant 32 : i32
    %scan3A_7 = arith.constant 0 : i32
    %scan3A_8 = arith.constant 512 : i32
    %scan3A_9 = arith.addi %scan3A_7, %scan3A_8 : i32
    %scan3A_10 = arith.constant 8 : i32
    scf.for %scan3A_28 = %scan3A_7 to %scan3A_9 step %scan3A_10  : i32 {
      %dma_wait3A = arith.constant 0 : i32
      %dma_wait3A_29 = arith.constant 0 : i32
      %dma_wait3A_30 = tpu.memref_slice %arg6[%scan3A_28, %dma_wait3A_29] : memref<512x16xf32, #tpu.memory_space<vmem>> -> memref<1x16xf32, #tpu.memory_space<vmem>>
      %dma_wait3A_31 = tpu.memref_squeeze %dma_wait3A_30 : memref<1x16xf32, #tpu.memory_space<vmem>> -> memref<16xf32, #tpu.memory_space<vmem>>
      %dma_wait3A_32 = arith.constant 0 : i32
      %dma_wait3A_33 = tpu.memref_slice %arg3[%dma_wait3A, %dma_wait3A_32] : memref<1000000x16xf32, #tpu.memory_space<hbm>> -> memref<1x16xf32, #tpu.memory_space<hbm>>
      %dma_wait3A_34 = tpu.memref_squeeze %dma_wait3A_33 : memref<1x16xf32, #tpu.memory_space<hbm>> -> memref<16xf32, #tpu.memory_space<hbm>>
      %dma_wait3A_35 = arith.constant 0 : i32
      %dma_wait3A_36 = tpu.memref_slice %arg6[%scan3A_28, %dma_wait3A_35] : memref<512x16xf32, #tpu.memory_space<vmem>> -> memref<1x16xf32, #tpu.memory_space<vmem>>
      %dma_wait3A_37 = tpu.memref_squeeze %dma_wait3A_36 : memref<1x16xf32, #tpu.memory_space<vmem>> -> memref<16xf32, #tpu.memory_space<vmem>>
      %dma_wait3A_38 = arith.constant 0 : i32
      %dma_wait3A_39 = tpu.memref_slice %arg3[%dma_wait3A, %dma_wait3A_38] : memref<1000000x16xf32, #tpu.memory_space<hbm>> -> memref<1x16xf32, #tpu.memory_space<hbm>>
      %dma_wait3A_40 = tpu.memref_squeeze %dma_wait3A_39 : memref<1x16xf32, #tpu.memory_space<hbm>> -> memref<16xf32, #tpu.memory_space<hbm>>
      tpu.wait_dma2 semaphore(%arg7 : memref<!tpu.dma_semaphore, #tpu.memory_space<semaphore_mem>>) src(%dma_wait3A_40 : memref<16xf32, #tpu.memory_space<hbm>>) dst(%dma_wait3A_37 : memref<16xf32, #tpu.memory_space<vmem>>)
      %scan3A_41 = arith.constant 1 : i32
      %scan3A_42 = arith.addi %scan3A_28, %scan3A_41 : i32
      %dma_wait3A_43 = arith.constant 0 : i32
      %dma_wait3A_44 = arith.constant 0 : i32
      %dma_wait3A_45 = tpu.memref_slice %arg6[%scan3A_42, %dma_wait3A_44] : memref<512x16xf32, #tpu.memory_space<vmem>> -> memref<1x16xf32, #tpu.memory_space<vmem>>
      %dma_wait3A_46 = tpu.memref_squeeze %dma_wait3A_45 : memref<1x16xf32, #tpu.memory_space<vmem>> -> memref<16xf32, #tpu.memory_space<vmem>>
      %dma_wait3A_47 = arith.constant 0 : i32
      %dma_wait3A_48 = tpu.memref_slice %arg3[%dma_wait3A_43, %dma_wait3A_47] : memref<1000000x16xf32, #tpu.memory_space<hbm>> -> memref<1x16xf32, #tpu.memory_space<hbm>>
      %dma_wait3A_49 = tpu.memref_squeeze %dma_wait3A_48 : memref<1x16xf32, #tpu.memory_space<hbm>> -> memref<16xf32, #tpu.memory_space<hbm>>
      %dma_wait3A_50 = arith.constant 0 : i32
      %dma_wait3A_51 = tpu.memref_slice %arg6[%scan3A_42, %dma_wait3A_50] : memref<512x16xf32, #tpu.memory_space<vmem>> -> memref<1x16xf32, #tpu.memory_space<vmem>>
      %dma_wait3A_52 = tpu.memref_squeeze %dma_wait3A_51 : memref<1x16xf32, #tpu.memory_space<vmem>> -> memref<16xf32, #tpu.memory_space<vmem>>
      %dma_wait3A_53 = arith.constant 0 : i32
      %dma_wait3A_54 = tpu.memref_slice %arg3[%dma_wait3A_43, %dma_wait3A_53] : memref<1000000x16xf32, #tpu.memory_space<hbm>> -> memref<1x16xf32, #tpu.memory_space<hbm>>
      %dma_wait3A_55 = tpu.memref_squeeze %dma_wait3A_54 : memref<1x16xf32, #tpu.memory_space<hbm>> -> memref<16xf32, #tpu.memory_space<hbm>>
      tpu.wait_dma2 semaphore(%arg7 : memref<!tpu.dma_semaphore, #tpu.memory_space<semaphore_mem>>) src(%dma_wait3A_55 : memref<16xf32, #tpu.memory_space<hbm>>) dst(%dma_wait3A_52 : memref<16xf32, #tpu.memory_space<vmem>>)
      %scan3A_56 = arith.constant 2 : i32
      %scan3A_57 = arith.addi %scan3A_28, %scan3A_56 : i32
      %dma_wait3A_58 = arith.constant 0 : i32
      %dma_wait3A_59 = arith.constant 0 : i32
      %dma_wait3A_60 = tpu.memref_slice %arg6[%scan3A_57, %dma_wait3A_59] : memref<512x16xf32, #tpu.memory_space<vmem>> -> memref<1x16xf32, #tpu.memory_space<vmem>>
      %dma_wait3A_61 = tpu.memref_squeeze %dma_wait3A_60 : memref<1x16xf32, #tpu.memory_space<vmem>> -> memref<16xf32, #tpu.memory_space<vmem>>
      %dma_wait3A_62 = arith.constant 0 : i32
      %dma_wait3A_63 = tpu.memref_slice %arg3[%dma_wait3A_58, %dma_wait3A_62] : memref<1000000x16xf32, #tpu.memory_space<hbm>> -> memref<1x16xf32, #tpu.memory_space<hbm>>
      %dma_wait3A_64 = tpu.memref_squeeze %dma_wait3A_63 : memref<1x16xf32, #tpu.memory_space<hbm>> -> memref<16xf32, #tpu.memory_space<hbm>>
      %dma_wait3A_65 = arith.constant 0 : i32
      %dma_wait3A_66 = tpu.memref_slice %arg6[%scan3A_57, %dma_wait3A_65] : memref<512x16xf32, #tpu.memory_space<vmem>> -> memref<1x16xf32, #tpu.memory_space<vmem>>
      %dma_wait3A_67 = tpu.memref_squeeze %dma_wait3A_66 : memref<1x16xf32, #tpu.memory_space<vmem>> -> memref<16xf32, #tpu.memory_space<vmem>>
      %dma_wait3A_68 = arith.constant 0 : i32
      %dma_wait3A_69 = tpu.memref_slice %arg3[%dma_wait3A_58, %dma_wait3A_68] : memref<1000000x16xf32, #tpu.memory_space<hbm>> -> memref<1x16xf32, #tpu.memory_space<hbm>>
      %dma_wait3A_70 = tpu.memref_squeeze %dma_wait3A_69 : memref<1x16xf32, #tpu.memory_space<hbm>> -> memref<16xf32, #tpu.memory_space<hbm>>
      tpu.wait_dma2 semaphore(%arg7 : memref<!tpu.dma_semaphore, #tpu.memory_space<semaphore_mem>>) src(%dma_wait3A_70 : memref<16xf32, #tpu.memory_space<hbm>>) dst(%dma_wait3A_67 : memref<16xf32, #tpu.memory_space<vmem>>)
      %scan3A_71 = arith.constant 3 : i32
      %scan3A_72 = arith.addi %scan3A_28, %scan3A_71 : i32
      %dma_wait3A_73 = arith.constant 0 : i32
      %dma_wait3A_74 = arith.constant 0 : i32
      %dma_wait3A_75 = tpu.memref_slice %arg6[%scan3A_72, %dma_wait3A_74] : memref<512x16xf32, #tpu.memory_space<vmem>> -> memref<1x16xf32, #tpu.memory_space<vmem>>
      %dma_wait3A_76 = tpu.memref_squeeze %dma_wait3A_75 : memref<1x16xf32, #tpu.memory_space<vmem>> -> memref<16xf32, #tpu.memory_space<vmem>>
      %dma_wait3A_77 = arith.constant 0 : i32
      %dma_wait3A_78 = tpu.memref_slice %arg3[%dma_wait3A_73, %dma_wait3A_77] : memref<1000000x16xf32, #tpu.memory_space<hbm>> -> memref<1x16xf32, #tpu.memory_space<hbm>>
      %dma_wait3A_79 = tpu.memref_squeeze %dma_wait3A_78 : memref<1x16xf32, #tpu.memory_space<hbm>> -> memref<16xf32, #tpu.memory_space<hbm>>
      %dma_wait3A_80 = arith.constant 0 : i32
      %dma_wait3A_81 = tpu.memref_slice %arg6[%scan3A_72, %dma_wait3A_80] : memref<512x16xf32, #tpu.memory_space<vmem>> -> memref<1x16xf32, #tpu.memory_space<vmem>>
      %dma_wait3A_82 = tpu.memref_squeeze %dma_wait3A_81 : memref<1x16xf32, #tpu.memory_space<vmem>> -> memref<16xf32, #tpu.memory_space<vmem>>
      %dma_wait3A_83 = arith.constant 0 : i32
      %dma_wait3A_84 = tpu.memref_slice %arg3[%dma_wait3A_73, %dma_wait3A_83] : memref<1000000x16xf32, #tpu.memory_space<hbm>> -> memref<1x16xf32, #tpu.memory_space<hbm>>
      %dma_wait3A_85 = tpu.memref_squeeze %dma_wait3A_84 : memref<1x16xf32, #tpu.memory_space<hbm>> -> memref<16xf32, #tpu.memory_space<hbm>>
      tpu.wait_dma2 semaphore(%arg7 : memref<!tpu.dma_semaphore, #tpu.memory_space<semaphore_mem>>) src(%dma_wait3A_85 : memref<16xf32, #tpu.memory_space<hbm>>) dst(%dma_wait3A_82 : memref<16xf32, #tpu.memory_space<vmem>>)
      %scan3A_86 = arith.constant 4 : i32
      %scan3A_87 = arith.addi %scan3A_28, %scan3A_86 : i32
      %dma_wait3A_88 = arith.constant 0 : i32
      %dma_wait3A_89 = arith.constant 0 : i32
      %dma_wait3A_90 = tpu.memref_slice %arg6[%scan3A_87, %dma_wait3A_89] : memref<512x16xf32, #tpu.memory_space<vmem>> -> memref<1x16xf32, #tpu.memory_space<vmem>>
      %dma_wait3A_91 = tpu.memref_squeeze %dma_wait3A_90 : memref<1x16xf32, #tpu.memory_space<vmem>> -> memref<16xf32, #tpu.memory_space<vmem>>
      %dma_wait3A_92 = arith.constant 0 : i32
      %dma_wait3A_93 = tpu.memref_slice %arg3[%dma_wait3A_88, %dma_wait3A_92] : memref<1000000x16xf32, #tpu.memory_space<hbm>> -> memref<1x16xf32, #tpu.memory_space<hbm>>
      %dma_wait3A_94 = tpu.memref_squeeze %dma_wait3A_93 : memref<1x16xf32, #tpu.memory_space<hbm>> -> memref<16xf32, #tpu.memory_space<hbm>>
      %dma_wait3A_95 = arith.constant 0 : i32
      %dma_wait3A_96 = tpu.memref_slice %arg6[%scan3A_87, %dma_wait3A_95] : memref<512x16xf32, #tpu.memory_space<vmem>> -> memref<1x16xf32, #tpu.memory_space<vmem>>
      %dma_wait3A_97 = tpu.memref_squeeze %dma_wait3A_96 : memref<1x16xf32, #tpu.memory_space<vmem>> -> memref<16xf32, #tpu.memory_space<vmem>>
      %dma_wait3A_98 = arith.constant 0 : i32
      %dma_wait3A_99 = tpu.memref_slice %arg3[%dma_wait3A_88, %dma_wait3A_98] : memref<1000000x16xf32, #tpu.memory_space<hbm>> -> memref<1x16xf32, #tpu.memory_space<hbm>>
      %dma_wait3A_100 = tpu.memref_squeeze %dma_wait3A_99 : memref<1x16xf32, #tpu.memory_space<hbm>> -> memref<16xf32, #tpu.memory_space<hbm>>
      tpu.wait_dma2 semaphore(%arg7 : memref<!tpu.dma_semaphore, #tpu.memory_space<semaphore_mem>>) src(%dma_wait3A_100 : memref<16xf32, #tpu.memory_space<hbm>>) dst(%dma_wait3A_97 : memref<16xf32, #tpu.memory_space<vmem>>)
      %scan3A_101 = arith.constant 5 : i32
      %scan3A_102 = arith.addi %scan3A_28, %scan3A_101 : i32
      %dma_wait3A_103 = arith.constant 0 : i32
      %dma_wait3A_104 = arith.constant 0 : i32
      %dma_wait3A_105 = tpu.memref_slice %arg6[%scan3A_102, %dma_wait3A_104] : memref<512x16xf32, #tpu.memory_space<vmem>> -> memref<1x16xf32, #tpu.memory_space<vmem>>
      %dma_wait3A_106 = tpu.memref_squeeze %dma_wait3A_105 : memref<1x16xf32, #tpu.memory_space<vmem>> -> memref<16xf32, #tpu.memory_space<vmem>>
      %dma_wait3A_107 = arith.constant 0 : i32
      %dma_wait3A_108 = tpu.memref_slice %arg3[%dma_wait3A_103, %dma_wait3A_107] : memref<1000000x16xf32, #tpu.memory_space<hbm>> -> memref<1x16xf32, #tpu.memory_space<hbm>>
      %dma_wait3A_109 = tpu.memref_squeeze %dma_wait3A_108 : memref<1x16xf32, #tpu.memory_space<hbm>> -> memref<16xf32, #tpu.memory_space<hbm>>
      %dma_wait3A_110 = arith.constant 0 : i32
      %dma_wait3A_111 = tpu.memref_slice %arg6[%scan3A_102, %dma_wait3A_110] : memref<512x16xf32, #tpu.memory_space<vmem>> -> memref<1x16xf32, #tpu.memory_space<vmem>>
      %dma_wait3A_112 = tpu.memref_squeeze %dma_wait3A_111 : memref<1x16xf32, #tpu.memory_space<vmem>> -> memref<16xf32, #tpu.memory_space<vmem>>
      %dma_wait3A_113 = arith.constant 0 : i32
      %dma_wait3A_114 = tpu.memref_slice %arg3[%dma_wait3A_103, %dma_wait3A_113] : memref<1000000x16xf32, #tpu.memory_space<hbm>> -> memref<1x16xf32, #tpu.memory_space<hbm>>
      %dma_wait3A_115 = tpu.memref_squeeze %dma_wait3A_114 : memref<1x16xf32, #tpu.memory_space<hbm>> -> memref<16xf32, #tpu.memory_space<hbm>>
      tpu.wait_dma2 semaphore(%arg7 : memref<!tpu.dma_semaphore, #tpu.memory_space<semaphore_mem>>) src(%dma_wait3A_115 : memref<16xf32, #tpu.memory_space<hbm>>) dst(%dma_wait3A_112 : memref<16xf32, #tpu.memory_space<vmem>>)
      %scan3A_116 = arith.constant 6 : i32
      %scan3A_117 = arith.addi %scan3A_28, %scan3A_116 : i32
      %dma_wait3A_118 = arith.constant 0 : i32
      %dma_wait3A_119 = arith.constant 0 : i32
      %dma_wait3A_120 = tpu.memref_slice %arg6[%scan3A_117, %dma_wait3A_119] : memref<512x16xf32, #tpu.memory_space<vmem>> -> memref<1x16xf32, #tpu.memory_space<vmem>>
      %dma_wait3A_121 = tpu.memref_squeeze %dma_wait3A_120 : memref<1x16xf32, #tpu.memory_space<vmem>> -> memref<16xf32, #tpu.memory_space<vmem>>
      %dma_wait3A_122 = arith.constant 0 : i32
      %dma_wait3A_123 = tpu.memref_slice %arg3[%dma_wait3A_118, %dma_wait3A_122] : memref<1000000x16xf32, #tpu.memory_space<hbm>> -> memref<1x16xf32, #tpu.memory_space<hbm>>
      %dma_wait3A_124 = tpu.memref_squeeze %dma_wait3A_123 : memref<1x16xf32, #tpu.memory_space<hbm>> -> memref<16xf32, #tpu.memory_space<hbm>>
      %dma_wait3A_125 = arith.constant 0 : i32
      %dma_wait3A_126 = tpu.memref_slice %arg6[%scan3A_117, %dma_wait3A_125] : memref<512x16xf32, #tpu.memory_space<vmem>> -> memref<1x16xf32, #tpu.memory_space<vmem>>
      %dma_wait3A_127 = tpu.memref_squeeze %dma_wait3A_126 : memref<1x16xf32, #tpu.memory_space<vmem>> -> memref<16xf32, #tpu.memory_space<vmem>>
      %dma_wait3A_128 = arith.constant 0 : i32
      %dma_wait3A_129 = tpu.memref_slice %arg3[%dma_wait3A_118, %dma_wait3A_128] : memref<1000000x16xf32, #tpu.memory_space<hbm>> -> memref<1x16xf32, #tpu.memory_space<hbm>>
      %dma_wait3A_130 = tpu.memref_squeeze %dma_wait3A_129 : memref<1x16xf32, #tpu.memory_space<hbm>> -> memref<16xf32, #tpu.memory_space<hbm>>
      tpu.wait_dma2 semaphore(%arg7 : memref<!tpu.dma_semaphore, #tpu.memory_space<semaphore_mem>>) src(%dma_wait3A_130 : memref<16xf32, #tpu.memory_space<hbm>>) dst(%dma_wait3A_127 : memref<16xf32, #tpu.memory_space<vmem>>)
      %scan3A_131 = arith.constant 7 : i32
      %scan3A_132 = arith.addi %scan3A_28, %scan3A_131 : i32
      %dma_wait3A_133 = arith.constant 0 : i32
      %dma_wait3A_134 = arith.constant 0 : i32
      %dma_wait3A_135 = tpu.memref_slice %arg6[%scan3A_132, %dma_wait3A_134] : memref<512x16xf32, #tpu.memory_space<vmem>> -> memref<1x16xf32, #tpu.memory_space<vmem>>
      %dma_wait3A_136 = tpu.memref_squeeze %dma_wait3A_135 : memref<1x16xf32, #tpu.memory_space<vmem>> -> memref<16xf32, #tpu.memory_space<vmem>>
      %dma_wait3A_137 = arith.constant 0 : i32
      %dma_wait3A_138 = tpu.memref_slice %arg3[%dma_wait3A_133, %dma_wait3A_137] : memref<1000000x16xf32, #tpu.memory_space<hbm>> -> memref<1x16xf32, #tpu.memory_space<hbm>>
      %dma_wait3A_139 = tpu.memref_squeeze %dma_wait3A_138 : memref<1x16xf32, #tpu.memory_space<hbm>> -> memref<16xf32, #tpu.memory_space<hbm>>
      %dma_wait3A_140 = arith.constant 0 : i32
      %dma_wait3A_141 = tpu.memref_slice %arg6[%scan3A_132, %dma_wait3A_140] : memref<512x16xf32, #tpu.memory_space<vmem>> -> memref<1x16xf32, #tpu.memory_space<vmem>>
      %dma_wait3A_142 = tpu.memref_squeeze %dma_wait3A_141 : memref<1x16xf32, #tpu.memory_space<vmem>> -> memref<16xf32, #tpu.memory_space<vmem>>
      %dma_wait3A_143 = arith.constant 0 : i32
      %dma_wait3A_144 = tpu.memref_slice %arg3[%dma_wait3A_133, %dma_wait3A_143] : memref<1000000x16xf32, #tpu.memory_space<hbm>> -> memref<1x16xf32, #tpu.memory_space<hbm>>
      %dma_wait3A_145 = tpu.memref_squeeze %dma_wait3A_144 : memref<1x16xf32, #tpu.memory_space<hbm>> -> memref<16xf32, #tpu.memory_space<hbm>>
      tpu.wait_dma2 semaphore(%arg7 : memref<!tpu.dma_semaphore, #tpu.memory_space<semaphore_mem>>) src(%dma_wait3A_145 : memref<16xf32, #tpu.memory_space<hbm>>) dst(%dma_wait3A_142 : memref<16xf32, #tpu.memory_space<vmem>>)
    }
    %scan3A_11 = arith.constant 512 : i32
    %iota3A = tpu.iota {dimensions = array<i32: 0>} : vector<16xi32>
    %xor3A = arith.constant 1 : i32
    %xor3A_12 = vector.broadcast %xor3A : i32 to vector<16xi32>
    %xor3A_13 = arith.xori %iota3A, %xor3A_12 : vector<16xi32>
    %xor3A_14 = arith.constant 2 : i32
    %xor3A_15 = vector.broadcast %xor3A_14 : i32 to vector<16xi32>
    %xor3A_16 = arith.xori %iota3A, %xor3A_15 : vector<16xi32>
    %xor3A_17 = arith.constant 4 : i32
    %xor3A_18 = vector.broadcast %xor3A_17 : i32 to vector<16xi32>
    %xor3A_19 = arith.xori %iota3A, %xor3A_18 : vector<16xi32>
    %xor3A_20 = arith.constant 8 : i32
    %xor3A_21 = vector.broadcast %xor3A_20 : i32 to vector<16xi32>
    %xor3A_22 = arith.xori %iota3A, %xor3A_21 : vector<16xi32>
    %scan3A_23 = arith.constant 0 : i32
    %scan3A_24 = arith.constant 512 : i32
    %scan3A_25 = arith.addi %scan3A_23, %scan3A_24 : i32
    %scan3A_26 = arith.constant 8 : i32
    scf.for %scan3A_28 = %scan3A_23 to %scan3A_25 step %scan3A_26  : i32 {
      %get3A = arith.index_cast %scan3A_28 : i32 to index
      %get3A_29 = arith.constant 0 : index
      %get3A_30 = tpu.vector_load %arg6[%get3A, %get3A_29] {strides = array<i32>} : memref<512x16xf32, #tpu.memory_space<vmem>>, vector<1x16xf32>,
      %get3A_31 = vector.shape_cast %get3A_30 : vector<1x16xf32> to vector<16xf32>
      %lt3A = arith.constant 0 : i32
      %lt3A_32 = vector.broadcast %lt3A : i32 to vector<16xi32>
      %lt3A_33 = arith.cmpi slt, %xor3A_13, %lt3A_32 : vector<16xi32>
      %add3A_34 = arith.constant 16 : i32
      %add3A_35 = vector.broadcast %add3A_34 : i32 to vector<16xi32>
      %add3A_36 = arith.addi %xor3A_13, %add3A_35 : vector<16xi32>
      %select_n3A = arith.select %lt3A_33, %add3A_36, %xor3A_13 : vector<16xi1>, vector<16xi32>
      %broadcast_in_dim3A = vector.shape_cast %select_n3A : vector<16xi32> to vector<16x1xi32>
      %gather3A = vector.shape_cast %broadcast_in_dim3A : vector<16x1xi32> to vector<16xi32>
      %gather3A_37 = tpu.dynamic_gather %get3A_31[%gather3A] in [0] : vector<16xf32>, vector<16xi32> -> vector<16xf32>
      %max3A = arith.maximumf %get3A_31, %gather3A_37 : vector<16xf32>
      %lt3A_38 = arith.constant 0 : i32
      %lt3A_39 = vector.broadcast %lt3A_38 : i32 to vector<16xi32>
      %lt3A_40 = arith.cmpi slt, %xor3A_16, %lt3A_39 : vector<16xi32>
      %add3A_41 = arith.constant 16 : i32
      %add3A_42 = vector.broadcast %add3A_41 : i32 to vector<16xi32>
      %add3A_43 = arith.addi %xor3A_16, %add3A_42 : vector<16xi32>
      %select_n3A_44 = arith.select %lt3A_40, %add3A_43, %xor3A_16 : vector<16xi1>, vector<16xi32>
      %broadcast_in_dim3A_45 = vector.shape_cast %select_n3A_44 : vector<16xi32> to vector<16x1xi32>
      %gather3A_46 = vector.shape_cast %broadcast_in_dim3A_45 : vector<16x1xi32> to vector<16xi32>
      %gather3A_47 = tpu.dynamic_gather %max3A[%gather3A_46] in [0] : vector<16xf32>, vector<16xi32> -> vector<16xf32>
      %max3A_48 = arith.maximumf %max3A, %gather3A_47 : vector<16xf32>
      %lt3A_49 = arith.constant 0 : i32
      %lt3A_50 = vector.broadcast %lt3A_49 : i32 to vector<16xi32>
      %lt3A_51 = arith.cmpi slt, %xor3A_19, %lt3A_50 : vector<16xi32>
      %add3A_52 = arith.constant 16 : i32
      %add3A_53 = vector.broadcast %add3A_52 : i32 to vector<16xi32>
      %add3A_54 = arith.addi %xor3A_19, %add3A_53 : vector<16xi32>
      %select_n3A_55 = arith.select %lt3A_51, %add3A_54, %xor3A_19 : vector<16xi1>, vector<16xi32>
      %broadcast_in_dim3A_56 = vector.shape_cast %select_n3A_55 : vector<16xi32> to vector<16x1xi32>
      %gather3A_57 = vector.shape_cast %broadcast_in_dim3A_56 : vector<16x1xi32> to vector<16xi32>
      %gather3A_58 = tpu.dynamic_gather %max3A_48[%gather3A_57] in [0] : vector<16xf32>, vector<16xi32> -> vector<16xf32>
      %max3A_59 = arith.maximumf %max3A_48, %gather3A_58 : vector<16xf32>
      %lt3A_60 = arith.constant 0 : i32
      %lt3A_61 = vector.broadcast %lt3A_60 : i32 to vector<16xi32>
      %lt3A_62 = arith.cmpi slt, %xor3A_22, %lt3A_61 : vector<16xi32>
      %add3A_63 = arith.constant 16 : i32
      %add3A_64 = vector.broadcast %add3A_63 : i32 to vector<16xi32>
      %add3A_65 = arith.addi %xor3A_22, %add3A_64 : vector<16xi32>
      %select_n3A_66 = arith.select %lt3A_62, %add3A_65, %xor3A_22 : vector<16xi1>, vector<16xi32>
      %broadcast_in_dim3A_67 = vector.shape_cast %select_n3A_66 : vector<16xi32> to vector<16x1xi32>
      %gather3A_68 = vector.shape_cast %broadcast_in_dim3A_67 : vector<16x1xi32> to vector<16xi32>
      %gather3A_69 = tpu.dynamic_gather %max3A_59[%gather3A_68] in [0] : vector<16xf32>, vector<16xi32> -> vector<16xf32>
      %max3A_70 = arith.maximumf %max3A_59, %gather3A_69 : vector<16xf32>
      %sub3A = arith.subf %get3A_31, %max3A_70 : vector<16xf32>
      %exp3A = math.exp %sub3A : vector<16xf32>
      %lt3A_71 = arith.constant 0 : i32
      %lt3A_72 = vector.broadcast %lt3A_71 : i32 to vector<16xi32>
      %lt3A_73 = arith.cmpi slt, %xor3A_13, %lt3A_72 : vector<16xi32>
      %add3A_74 = arith.constant 16 : i32
      %add3A_75 = vector.broadcast %add3A_74 : i32 to vector<16xi32>
      %add3A_76 = arith.addi %xor3A_13, %add3A_75 : vector<16xi32>
      %select_n3A_77 = arith.select %lt3A_73, %add3A_76, %xor3A_13 : vector<16xi1>, vector<16xi32>
      %broadcast_in_dim3A_78 = vector.shape_cast %select_n3A_77 : vector<16xi32> to vector<16x1xi32>
      %gather3A_79 = vector.shape_cast %broadcast_in_dim3A_78 : vector<16x1xi32> to vector<16xi32>
      %gather3A_80 = tpu.dynamic_gather %exp3A[%gather3A_79] in [0] : vector<16xf32>, vector<16xi32> -> vector<16xf32>
      %add3A_81 = arith.addf %exp3A, %gather3A_80 : vector<16xf32>
      %lt3A_82 = arith.constant 0 : i32
      %lt3A_83 = vector.broadcast %lt3A_82 : i32 to vector<16xi32>
      %lt3A_84 = arith.cmpi slt, %xor3A_16, %lt3A_83 : vector<16xi32>
      %add3A_85 = arith.constant 16 : i32
      %add3A_86 = vector.broadcast %add3A_85 : i32 to vector<16xi32>
      %add3A_87 = arith.addi %xor3A_16, %add3A_86 : vector<16xi32>
      %select_n3A_88 = arith.select %lt3A_84, %add3A_87, %xor3A_16 : vector<16xi1>, vector<16xi32>
      %broadcast_in_dim3A_89 = vector.shape_cast %select_n3A_88 : vector<16xi32> to vector<16x1xi32>
      %gather3A_90 = vector.shape_cast %broadcast_in_dim3A_89 : vector<16x1xi32> to vector<16xi32>
      %gather3A_91 = tpu.dynamic_gather %add3A_81[%gather3A_90] in [0] : vector<16xf32>, vector<16xi32> -> vector<16xf32>
      %add3A_92 = arith.addf %add3A_81, %gather3A_91 : vector<16xf32>
      %lt3A_93 = arith.constant 0 : i32
      %lt3A_94 = vector.broadcast %lt3A_93 : i32 to vector<16xi32>
      %lt3A_95 = arith.cmpi slt, %xor3A_19, %lt3A_94 : vector<16xi32>
      %add3A_96 = arith.constant 16 : i32
      %add3A_97 = vector.broadcast %add3A_96 : i32 to vector<16xi32>
      %add3A_98 = arith.addi %xor3A_19, %add3A_97 : vector<16xi32>
      %select_n3A_99 = arith.select %lt3A_95, %add3A_98, %xor3A_19 : vector<16xi1>, vector<16xi32>
      %broadcast_in_dim3A_100 = vector.shape_cast %select_n3A_99 : vector<16xi32> to vector<16x1xi32>
      %gather3A_101 = vector.shape_cast %broadcast_in_dim3A_100 : vector<16x1xi32> to vector<16xi32>
      %gather3A_102 = tpu.dynamic_gather %add3A_92[%gather3A_101] in [0] : vector<16xf32>, vector<16xi32> -> vector<16xf32>
      %add3A_103 = arith.addf %add3A_92, %gather3A_102 : vector<16xf32>
      %lt3A_104 = arith.constant 0 : i32
      %lt3A_105 = vector.broadcast %lt3A_104 : i32 to vector<16xi32>
      %lt3A_106 = arith.cmpi slt, %xor3A_22, %lt3A_105 : vector<16xi32>
      %add3A_107 = arith.constant 16 : i32
      %add3A_108 = vector.broadcast %add3A_107 : i32 to vector<16xi32>
      %add3A_109 = arith.addi %xor3A_22, %add3A_108 : vector<16xi32>
      %select_n3A_110 = arith.select %lt3A_106, %add3A_109, %xor3A_22 : vector<16xi1>, vector<16xi32>
      %broadcast_in_dim3A_111 = vector.shape_cast %select_n3A_110 : vector<16xi32> to vector<16x1xi32>
      %gather3A_112 = vector.shape_cast %broadcast_in_dim3A_111 : vector<16x1xi32> to vector<16xi32>
      %gather3A_113 = tpu.dynamic_gather %add3A_103[%gather3A_112] in [0] : vector<16xf32>, vector<16xi32> -> vector<16xf32>
      %add3A_114 = arith.addf %add3A_103, %gather3A_113 : vector<16xf32>
      %div3A = arith.divf %exp3A, %add3A_114 : vector<16xf32>
      %swap3A = arith.index_cast %scan3A_28 : i32 to index
      %swap3A_115 = arith.constant 0 : index
      %swap3A_116 = tpu.vector_load %arg6[%swap3A, %swap3A_115] {strides = array<i32>} : memref<512x16xf32, #tpu.memory_space<vmem>>, vector<1x16xf32>,
      %swap3A_117 = vector.shape_cast %swap3A_116 : vector<1x16xf32> to vector<16xf32>
      %swap3A_118 = vector.shape_cast %div3A : vector<16xf32> to vector<1x16xf32>
      tpu.vector_store %arg6[%swap3A, %swap3A_115], %swap3A_118 {strides = array<i32>} : memref<512x16xf32, #tpu.memory_space<vmem>>, vector<1x16xf32>,
      %scan3A_119 = arith.constant 1 : i32
      %scan3A_120 = arith.addi %scan3A_28, %scan3A_119 : i32
      %get3A_121 = arith.index_cast %scan3A_120 : i32 to index
      %get3A_122 = arith.constant 0 : index
      %get3A_123 = tpu.vector_load %arg6[%get3A_121, %get3A_122] {strides = array<i32>} : memref<512x16xf32, #tpu.memory_space<vmem>>, vector<1x16xf32>,
      %get3A_124 = vector.shape_cast %get3A_123 : vector<1x16xf32> to vector<16xf32>
      %lt3A_125 = arith.constant 0 : i32
      %lt3A_126 = vector.broadcast %lt3A_125 : i32 to vector<16xi32>
      %lt3A_127 = arith.cmpi slt, %xor3A_13, %lt3A_126 : vector<16xi32>
      %add3A_128 = arith.constant 16 : i32
      %add3A_129 = vector.broadcast %add3A_128 : i32 to vector<16xi32>
      %add3A_130 = arith.addi %xor3A_13, %add3A_129 : vector<16xi32>
      %select_n3A_131 = arith.select %lt3A_127, %add3A_130, %xor3A_13 : vector<16xi1>, vector<16xi32>
      %broadcast_in_dim3A_132 = vector.shape_cast %select_n3A_131 : vector<16xi32> to vector<16x1xi32>
      %gather3A_133 = vector.shape_cast %broadcast_in_dim3A_132 : vector<16x1xi32> to vector<16xi32>
      %gather3A_134 = tpu.dynamic_gather %get3A_124[%gather3A_133] in [0] : vector<16xf32>, vector<16xi32> -> vector<16xf32>
      %max3A_135 = arith.maximumf %get3A_124, %gather3A_134 : vector<16xf32>
      %lt3A_136 = arith.constant 0 : i32
      %lt3A_137 = vector.broadcast %lt3A_136 : i32 to vector<16xi32>
      %lt3A_138 = arith.cmpi slt, %xor3A_16, %lt3A_137 : vector<16xi32>
      %add3A_139 = arith.constant 16 : i32
      %add3A_140 = vector.broadcast %add3A_139 : i32 to vector<16xi32>
      %add3A_141 = arith.addi %xor3A_16, %add3A_140 : vector<16xi32>
      %select_n3A_142 = arith.select %lt3A_138, %add3A_141, %xor3A_16 : vector<16xi1>, vector<16xi32>
      %broadcast_in_dim3A_143 = vector.shape_cast %select_n3A_142 : vector<16xi32> to vector<16x1xi32>
      %gather3A_144 = vector.shape_cast %broadcast_in_dim3A_143 : vector<16x1xi32> to vector<16xi32>
      %gather3A_145 = tpu.dynamic_gather %max3A_135[%gather3A_144] in [0] : vector<16xf32>, vector<16xi32> -> vector<16xf32>
      %max3A_146 = arith.maximumf %max3A_135, %gather3A_145 : vector<16xf32>
      %lt3A_147 = arith.constant 0 : i32
      %lt3A_148 = vector.broadcast %lt3A_147 : i32 to vector<16xi32>
      %lt3A_149 = arith.cmpi slt, %xor3A_19, %lt3A_148 : vector<16xi32>
      %add3A_150 = arith.constant 16 : i32
      %add3A_151 = vector.broadcast %add3A_150 : i32 to vector<16xi32>
      %add3A_152 = arith.addi %xor3A_19, %add3A_151 : vector<16xi32>
      %select_n3A_153 = arith.select %lt3A_149, %add3A_152, %xor3A_19 : vector<16xi1>, vector<16xi32>
      %broadcast_in_dim3A_154 = vector.shape_cast %select_n3A_153 : vector<16xi32> to vector<16x1xi32>
      %gather3A_155 = vector.shape_cast %broadcast_in_dim3A_154 : vector<16x1xi32> to vector<16xi32>
      %gather3A_156 = tpu.dynamic_gather %max3A_146[%gather3A_155] in [0] : vector<16xf32>, vector<16xi32> -> vector<16xf32>
      %max3A_157 = arith.maximumf %max3A_146, %gather3A_156 : vector<16xf32>
      %lt3A_158 = arith.constant 0 : i32
      %lt3A_159 = vector.broadcast %lt3A_158 : i32 to vector<16xi32>
      %lt3A_160 = arith.cmpi slt, %xor3A_22, %lt3A_159 : vector<16xi32>
      %add3A_161 = arith.constant 16 : i32
      %add3A_162 = vector.broadcast %add3A_161 : i32 to vector<16xi32>
      %add3A_163 = arith.addi %xor3A_22, %add3A_162 : vector<16xi32>
      %select_n3A_164 = arith.select %lt3A_160, %add3A_163, %xor3A_22 : vector<16xi1>, vector<16xi32>
      %broadcast_in_dim3A_165 = vector.shape_cast %select_n3A_164 : vector<16xi32> to vector<16x1xi32>
      %gather3A_166 = vector.shape_cast %broadcast_in_dim3A_165 : vector<16x1xi32> to vector<16xi32>
      %gather3A_167 = tpu.dynamic_gather %max3A_157[%gather3A_166] in [0] : vector<16xf32>, vector<16xi32> -> vector<16xf32>
      %max3A_168 = arith.maximumf %max3A_157, %gather3A_167 : vector<16xf32>
      %sub3A_169 = arith.subf %get3A_124, %max3A_168 : vector<16xf32>
      %exp3A_170 = math.exp %sub3A_169 : vector<16xf32>
      %lt3A_171 = arith.constant 0 : i32
      %lt3A_172 = vector.broadcast %lt3A_171 : i32 to vector<16xi32>
      %lt3A_173 = arith.cmpi slt, %xor3A_13, %lt3A_172 : vector<16xi32>
      %add3A_174 = arith.constant 16 : i32
      %add3A_175 = vector.broadcast %add3A_174 : i32 to vector<16xi32>
      %add3A_176 = arith.addi %xor3A_13, %add3A_175 : vector<16xi32>
      %select_n3A_177 = arith.select %lt3A_173, %add3A_176, %xor3A_13 : vector<16xi1>, vector<16xi32>
      %broadcast_in_dim3A_178 = vector.shape_cast %select_n3A_177 : vector<16xi32> to vector<16x1xi32>
      %gather3A_179 = vector.shape_cast %broadcast_in_dim3A_178 : vector<16x1xi32> to vector<16xi32>
      %gather3A_180 = tpu.dynamic_gather %exp3A_170[%gather3A_179] in [0] : vector<16xf32>, vector<16xi32> -> vector<16xf32>
      %add3A_181 = arith.addf %exp3A_170, %gather3A_180 : vector<16xf32>
      %lt3A_182 = arith.constant 0 : i32
      %lt3A_183 = vector.broadcast %lt3A_182 : i32 to vector<16xi32>
      %lt3A_184 = arith.cmpi slt, %xor3A_16, %lt3A_183 : vector<16xi32>
      %add3A_185 = arith.constant 16 : i32
      %add3A_186 = vector.broadcast %add3A_185 : i32 to vector<16xi32>
      %add3A_187 = arith.addi %xor3A_16, %add3A_186 : vector<16xi32>
      %select_n3A_188 = arith.select %lt3A_184, %add3A_187, %xor3A_16 : vector<16xi1>, vector<16xi32>
      %broadcast_in_dim3A_189 = vector.shape_cast %select_n3A_188 : vector<16xi32> to vector<16x1xi32>
      %gather3A_190 = vector.shape_cast %broadcast_in_dim3A_189 : vector<16x1xi32> to vector<16xi32>
      %gather3A_191 = tpu.dynamic_gather %add3A_181[%gather3A_190] in [0] : vector<16xf32>, vector<16xi32> -> vector<16xf32>
      %add3A_192 = arith.addf %add3A_181, %gather3A_191 : vector<16xf32>
      %lt3A_193 = arith.constant 0 : i32
      %lt3A_194 = vector.broadcast %lt3A_193 : i32 to vector<16xi32>
      %lt3A_195 = arith.cmpi slt, %xor3A_19, %lt3A_194 : vector<16xi32>
      %add3A_196 = arith.constant 16 : i32
      %add3A_197 = vector.broadcast %add3A_196 : i32 to vector<16xi32>
      %add3A_198 = arith.addi %xor3A_19, %add3A_197 : vector<16xi32>
      %select_n3A_199 = arith.select %lt3A_195, %add3A_198, %xor3A_19 : vector<16xi1>, vector<16xi32>
      %broadcast_in_dim3A_200 = vector.shape_cast %select_n3A_199 : vector<16xi32> to vector<16x1xi32>
      %gather3A_201 = vector.shape_cast %broadcast_in_dim3A_200 : vector<16x1xi32> to vector<16xi32>
      %gather3A_202 = tpu.dynamic_gather %add3A_192[%gather3A_201] in [0] : vector<16xf32>, vector<16xi32> -> vector<16xf32>
      %add3A_203 = arith.addf %add3A_192, %gather3A_202 : vector<16xf32>
      %lt3A_204 = arith.constant 0 : i32
      %lt3A_205 = vector.broadcast %lt3A_204 : i32 to vector<16xi32>
      %lt3A_206 = arith.cmpi slt, %xor3A_22, %lt3A_205 : vector<16xi32>
      %add3A_207 = arith.constant 16 : i32
      %add3A_208 = vector.broadcast %add3A_207 : i32 to vector<16xi32>
      %add3A_209 = arith.addi %xor3A_22, %add3A_208 : vector<16xi32>
      %select_n3A_210 = arith.select %lt3A_206, %add3A_209, %xor3A_22 : vector<16xi1>, vector<16xi32>
      %broadcast_in_dim3A_211 = vector.shape_cast %select_n3A_210 : vector<16xi32> to vector<16x1xi32>
      %gather3A_212 = vector.shape_cast %broadcast_in_dim3A_211 : vector<16x1xi32> to vector<16xi32>
      %gather3A_213 = tpu.dynamic_gather %add3A_203[%gather3A_212] in [0] : vector<16xf32>, vector<16xi32> -> vector<16xf32>
      %add3A_214 = arith.addf %add3A_203, %gather3A_213 : vector<16xf32>
      %div3A_215 = arith.divf %exp3A_170, %add3A_214 : vector<16xf32>
      %swap3A_216 = arith.index_cast %scan3A_120 : i32 to index
      %swap3A_217 = arith.constant 0 : index
      %swap3A_218 = tpu.vector_load %arg6[%swap3A_216, %swap3A_217] {strides = array<i32>} : memref<512x16xf32, #tpu.memory_space<vmem>>, vector<1x16xf32>,
      %swap3A_219 = vector.shape_cast %swap3A_218 : vector<1x16xf32> to vector<16xf32>
      %swap3A_220 = vector.shape_cast %div3A_215 : vector<16xf32> to vector<1x16xf32>
      tpu.vector_store %arg6[%swap3A_216, %swap3A_217], %swap3A_220 {strides = array<i32>} : memref<512x16xf32, #tpu.memory_space<vmem>>, vector<1x16xf32>,
      %scan3A_221 = arith.constant 2 : i32
      %scan3A_222 = arith.addi %scan3A_28, %scan3A_221 : i32
      %get3A_223 = arith.index_cast %scan3A_222 : i32 to index
      %get3A_224 = arith.constant 0 : index
      %get3A_225 = tpu.vector_load %arg6[%get3A_223, %get3A_224] {strides = array<i32>} : memref<512x16xf32, #tpu.memory_space<vmem>>, vector<1x16xf32>,
      %get3A_226 = vector.shape_cast %get3A_225 : vector<1x16xf32> to vector<16xf32>
      %lt3A_227 = arith.constant 0 : i32
      %lt3A_228 = vector.broadcast %lt3A_227 : i32 to vector<16xi32>
      %lt3A_229 = arith.cmpi slt, %xor3A_13, %lt3A_228 : vector<16xi32>
      %add3A_230 = arith.constant 16 : i32
      %add3A_231 = vector.broadcast %add3A_230 : i32 to vector<16xi32>
      %add3A_232 = arith.addi %xor3A_13, %add3A_231 : vector<16xi32>
      %select_n3A_233 = arith.select %lt3A_229, %add3A_232, %xor3A_13 : vector<16xi1>, vector<16xi32>
      %broadcast_in_dim3A_234 = vector.shape_cast %select_n3A_233 : vector<16xi32> to vector<16x1xi32>
      %gather3A_235 = vector.shape_cast %broadcast_in_dim3A_234 : vector<16x1xi32> to vector<16xi32>
      %gather3A_236 = tpu.dynamic_gather %get3A_226[%gather3A_235] in [0] : vector<16xf32>, vector<16xi32> -> vector<16xf32>
      %max3A_237 = arith.maximumf %get3A_226, %gather3A_236 : vector<16xf32>
      %lt3A_238 = arith.constant 0 : i32
      %lt3A_239 = vector.broadcast %lt3A_238 : i32 to vector<16xi32>
      %lt3A_240 = arith.cmpi slt, %xor3A_16, %lt3A_239 : vector<16xi32>
      %add3A_241 = arith.constant 16 : i32
      %add3A_242 = vector.broadcast %add3A_241 : i32 to vector<16xi32>
      %add3A_243 = arith.addi %xor3A_16, %add3A_242 : vector<16xi32>
      %select_n3A_244 = arith.select %lt3A_240, %add3A_243, %xor3A_16 : vector<16xi1>, vector<16xi32>
      %broadcast_in_dim3A_245 = vector.shape_cast %select_n3A_244 : vector<16xi32> to vector<16x1xi32>
      %gather3A_246 = vector.shape_cast %broadcast_in_dim3A_245 : vector<16x1xi32> to vector<16xi32>
      %gather3A_247 = tpu.dynamic_gather %max3A_237[%gather3A_246] in [0] : vector<16xf32>, vector<16xi32> -> vector<16xf32>
      %max3A_248 = arith.maximumf %max3A_237, %gather3A_247 : vector<16xf32>
      %lt3A_249 = arith.constant 0 : i32
      %lt3A_250 = vector.broadcast %lt3A_249 : i32 to vector<16xi32>
      %lt3A_251 = arith.cmpi slt, %xor3A_19, %lt3A_250 : vector<16xi32>
      %add3A_252 = arith.constant 16 : i32
      %add3A_253 = vector.broadcast %add3A_252 : i32 to vector<16xi32>
      %add3A_254 = arith.addi %xor3A_19, %add3A_253 : vector<16xi32>
      %select_n3A_255 = arith.select %lt3A_251, %add3A_254, %xor3A_19 : vector<16xi1>, vector<16xi32>
      %broadcast_in_dim3A_256 = vector.shape_cast %select_n3A_255 : vector<16xi32> to vector<16x1xi32>
      %gather3A_257 = vector.shape_cast %broadcast_in_dim3A_256 : vector<16x1xi32> to vector<16xi32>
      %gather3A_258 = tpu.dynamic_gather %max3A_248[%gather3A_257] in [0] : vector<16xf32>, vector<16xi32> -> vector<16xf32>
      %max3A_259 = arith.maximumf %max3A_248, %gather3A_258 : vector<16xf32>
      %lt3A_260 = arith.constant 0 : i32
      %lt3A_261 = vector.broadcast %lt3A_260 : i32 to vector<16xi32>
      %lt3A_262 = arith.cmpi slt, %xor3A_22, %lt3A_261 : vector<16xi32>
      %add3A_263 = arith.constant 16 : i32
      %add3A_264 = vector.broadcast %add3A_263 : i32 to vector<16xi32>
      %add3A_265 = arith.addi %xor3A_22, %add3A_264 : vector<16xi32>
      %select_n3A_266 = arith.select %lt3A_262, %add3A_265, %xor3A_22 : vector<16xi1>, vector<16xi32>
      %broadcast_in_dim3A_267 = vector.shape_cast %select_n3A_266 : vector<16xi32> to vector<16x1xi32>
      %gather3A_268 = vector.shape_cast %broadcast_in_dim3A_267 : vector<16x1xi32> to vector<16xi32>
      %gather3A_269 = tpu.dynamic_gather %max3A_259[%gather3A_268] in [0] : vector<16xf32>, vector<16xi32> -> vector<16xf32>
      %max3A_270 = arith.maximumf %max3A_259, %gather3A_269 : vector<16xf32>
      %sub3A_271 = arith.subf %get3A_226, %max3A_270 : vector<16xf32>
      %exp3A_272 = math.exp %sub3A_271 : vector<16xf32>
      %lt3A_273 = arith.constant 0 : i32
      %lt3A_274 = vector.broadcast %lt3A_273 : i32 to vector<16xi32>
      %lt3A_275 = arith.cmpi slt, %xor3A_13, %lt3A_274 : vector<16xi32>
      %add3A_276 = arith.constant 16 : i32
      %add3A_277 = vector.broadcast %add3A_276 : i32 to vector<16xi32>
      %add3A_278 = arith.addi %xor3A_13, %add3A_277 : vector<16xi32>
      %select_n3A_279 = arith.select %lt3A_275, %add3A_278, %xor3A_13 : vector<16xi1>, vector<16xi32>
      %broadcast_in_dim3A_280 = vector.shape_cast %select_n3A_279 : vector<16xi32> to vector<16x1xi32>
      %gather3A_281 = vector.shape_cast %broadcast_in_dim3A_280 : vector<16x1xi32> to vector<16xi32>
      %gather3A_282 = tpu.dynamic_gather %exp3A_272[%gather3A_281] in [0] : vector<16xf32>, vector<16xi32> -> vector<16xf32>
      %add3A_283 = arith.addf %exp3A_272, %gather3A_282 : vector<16xf32>
      %lt3A_284 = arith.constant 0 : i32
      %lt3A_285 = vector.broadcast %lt3A_284 : i32 to vector<16xi32>
      %lt3A_286 = arith.cmpi slt, %xor3A_16, %lt3A_285 : vector<16xi32>
      %add3A_287 = arith.constant 16 : i32
      %add3A_288 = vector.broadcast %add3A_287 : i32 to vector<16xi32>
      %add3A_289 = arith.addi %xor3A_16, %add3A_288 : vector<16xi32>
      %select_n3A_290 = arith.select %lt3A_286, %add3A_289, %xor3A_16 : vector<16xi1>, vector<16xi32>
      %broadcast_in_dim3A_291 = vector.shape_cast %select_n3A_290 : vector<16xi32> to vector<16x1xi32>
      %gather3A_292 = vector.shape_cast %broadcast_in_dim3A_291 : vector<16x1xi32> to vector<16xi32>
      %gather3A_293 = tpu.dynamic_gather %add3A_283[%gather3A_292] in [0] : vector<16xf32>, vector<16xi32> -> vector<16xf32>
      %add3A_294 = arith.addf %add3A_283, %gather3A_293 : vector<16xf32>
      %lt3A_295 = arith.constant 0 : i32
      %lt3A_296 = vector.broadcast %lt3A_295 : i32 to vector<16xi32>
      %lt3A_297 = arith.cmpi slt, %xor3A_19, %lt3A_296 : vector<16xi32>
      %add3A_298 = arith.constant 16 : i32
      %add3A_299 = vector.broadcast %add3A_298 : i32 to vector<16xi32>
      %add3A_300 = arith.addi %xor3A_19, %add3A_299 : vector<16xi32>
      %select_n3A_301 = arith.select %lt3A_297, %add3A_300, %xor3A_19 : vector<16xi1>, vector<16xi32>
      %broadcast_in_dim3A_302 = vector.shape_cast %select_n3A_301 : vector<16xi32> to vector<16x1xi32>
      %gather3A_303 = vector.shape_cast %broadcast_in_dim3A_302 : vector<16x1xi32> to vector<16xi32>
      %gather3A_304 = tpu.dynamic_gather %add3A_294[%gather3A_303] in [0] : vector<16xf32>, vector<16xi32> -> vector<16xf32>
      %add3A_305 = arith.addf %add3A_294, %gather3A_304 : vector<16xf32>
      %lt3A_306 = arith.constant 0 : i32
      %lt3A_307 = vector.broadcast %lt3A_306 : i32 to vector<16xi32>
      %lt3A_308 = arith.cmpi slt, %xor3A_22, %lt3A_307 : vector<16xi32>
      %add3A_309 = arith.constant 16 : i32
      %add3A_310 = vector.broadcast %add3A_309 : i32 to vector<16xi32>
      %add3A_311 = arith.addi %xor3A_22, %add3A_310 : vector<16xi32>
      %select_n3A_312 = arith.select %lt3A_308, %add3A_311, %xor3A_22 : vector<16xi1>, vector<16xi32>
      %broadcast_in_dim3A_313 = vector.shape_cast %select_n3A_312 : vector<16xi32> to vector<16x1xi32>
      %gather3A_314 = vector.shape_cast %broadcast_in_dim3A_313 : vector<16x1xi32> to vector<16xi32>
      %gather3A_315 = tpu.dynamic_gather %add3A_305[%gather3A_314] in [0] : vector<16xf32>, vector<16xi32> -> vector<16xf32>
      %add3A_316 = arith.addf %add3A_305, %gather3A_315 : vector<16xf32>
      %div3A_317 = arith.divf %exp3A_272, %add3A_316 : vector<16xf32>
      %swap3A_318 = arith.index_cast %scan3A_222 : i32 to index
      %swap3A_319 = arith.constant 0 : index
      %swap3A_320 = tpu.vector_load %arg6[%swap3A_318, %swap3A_319] {strides = array<i32>} : memref<512x16xf32, #tpu.memory_space<vmem>>, vector<1x16xf32>,
      %swap3A_321 = vector.shape_cast %swap3A_320 : vector<1x16xf32> to vector<16xf32>
      %swap3A_322 = vector.shape_cast %div3A_317 : vector<16xf32> to vector<1x16xf32>
      tpu.vector_store %arg6[%swap3A_318, %swap3A_319], %swap3A_322 {strides = array<i32>} : memref<512x16xf32, #tpu.memory_space<vmem>>, vector<1x16xf32>,
      %scan3A_323 = arith.constant 3 : i32
      %scan3A_324 = arith.addi %scan3A_28, %scan3A_323 : i32
      %get3A_325 = arith.index_cast %scan3A_324 : i32 to index
      %get3A_326 = arith.constant 0 : index
      %get3A_327 = tpu.vector_load %arg6[%get3A_325, %get3A_326] {strides = array<i32>} : memref<512x16xf32, #tpu.memory_space<vmem>>, vector<1x16xf32>,
      %get3A_328 = vector.shape_cast %get3A_327 : vector<1x16xf32> to vector<16xf32>
      %lt3A_329 = arith.constant 0 : i32
      %lt3A_330 = vector.broadcast %lt3A_329 : i32 to vector<16xi32>
      %lt3A_331 = arith.cmpi slt, %xor3A_13, %lt3A_330 : vector<16xi32>
      %add3A_332 = arith.constant 16 : i32
      %add3A_333 = vector.broadcast %add3A_332 : i32 to vector<16xi32>
      %add3A_334 = arith.addi %xor3A_13, %add3A_333 : vector<16xi32>
      %select_n3A_335 = arith.select %lt3A_331, %add3A_334, %xor3A_13 : vector<16xi1>, vector<16xi32>
      %broadcast_in_dim3A_336 = vector.shape_cast %select_n3A_335 : vector<16xi32> to vector<16x1xi32>
      %gather3A_337 = vector.shape_cast %broadcast_in_dim3A_336 : vector<16x1xi32> to vector<16xi32>
      %gather3A_338 = tpu.dynamic_gather %get3A_328[%gather3A_337] in [0] : vector<16xf32>, vector<16xi32> -> vector<16xf32>
      %max3A_339 = arith.maximumf %get3A_328, %gather3A_338 : vector<16xf32>
      %lt3A_340 = arith.constant 0 : i32
      %lt3A_341 = vector.broadcast %lt3A_340 : i32 to vector<16xi32>
      %lt3A_342 = arith.cmpi slt, %xor3A_16, %lt3A_341 : vector<16xi32>
      %add3A_343 = arith.constant 16 : i32
      %add3A_344 = vector.broadcast %add3A_343 : i32 to vector<16xi32>
      %add3A_345 = arith.addi %xor3A_16, %add3A_344 : vector<16xi32>
      %select_n3A_346 = arith.select %lt3A_342, %add3A_345, %xor3A_16 : vector<16xi1>, vector<16xi32>
      %broadcast_in_dim3A_347 = vector.shape_cast %select_n3A_346 : vector<16xi32> to vector<16x1xi32>
      %gather3A_348 = vector.shape_cast %broadcast_in_dim3A_347 : vector<16x1xi32> to vector<16xi32>
      %gather3A_349 = tpu.dynamic_gather %max3A_339[%gather3A_348] in [0] : vector<16xf32>, vector<16xi32> -> vector<16xf32>
      %max3A_350 = arith.maximumf %max3A_339, %gather3A_349 : vector<16xf32>
      %lt3A_351 = arith.constant 0 : i32
      %lt3A_352 = vector.broadcast %lt3A_351 : i32 to vector<16xi32>
      %lt3A_353 = arith.cmpi slt, %xor3A_19, %lt3A_352 : vector<16xi32>
      %add3A_354 = arith.constant 16 : i32
      %add3A_355 = vector.broadcast %add3A_354 : i32 to vector<16xi32>
      %add3A_356 = arith.addi %xor3A_19, %add3A_355 : vector<16xi32>
      %select_n3A_357 = arith.select %lt3A_353, %add3A_356, %xor3A_19 : vector<16xi1>, vector<16xi32>
      %broadcast_in_dim3A_358 = vector.shape_cast %select_n3A_357 : vector<16xi32> to vector<16x1xi32>
      %gather3A_359 = vector.shape_cast %broadcast_in_dim3A_358 : vector<16x1xi32> to vector<16xi32>
      %gather3A_360 = tpu.dynamic_gather %max3A_350[%gather3A_359] in [0] : vector<16xf32>, vector<16xi32> -> vector<16xf32>
      %max3A_361 = arith.maximumf %max3A_350, %gather3A_360 : vector<16xf32>
      %lt3A_362 = arith.constant 0 : i32
      %lt3A_363 = vector.broadcast %lt3A_362 : i32 to vector<16xi32>
      %lt3A_364 = arith.cmpi slt, %xor3A_22, %lt3A_363 : vector<16xi32>
      %add3A_365 = arith.constant 16 : i32
      %add3A_366 = vector.broadcast %add3A_365 : i32 to vector<16xi32>
      %add3A_367 = arith.addi %xor3A_22, %add3A_366 : vector<16xi32>
      %select_n3A_368 = arith.select %lt3A_364, %add3A_367, %xor3A_22 : vector<16xi1>, vector<16xi32>
      %broadcast_in_dim3A_369 = vector.shape_cast %select_n3A_368 : vector<16xi32> to vector<16x1xi32>
      %gather3A_370 = vector.shape_cast %broadcast_in_dim3A_369 : vector<16x1xi32> to vector<16xi32>
      %gather3A_371 = tpu.dynamic_gather %max3A_361[%gather3A_370] in [0] : vector<16xf32>, vector<16xi32> -> vector<16xf32>
      %max3A_372 = arith.maximumf %max3A_361, %gather3A_371 : vector<16xf32>
      %sub3A_373 = arith.subf %get3A_328, %max3A_372 : vector<16xf32>
      %exp3A_374 = math.exp %sub3A_373 : vector<16xf32>
      %lt3A_375 = arith.constant 0 : i32
      %lt3A_376 = vector.broadcast %lt3A_375 : i32 to vector<16xi32>
      %lt3A_377 = arith.cmpi slt, %xor3A_13, %lt3A_376 : vector<16xi32>
      %add3A_378 = arith.constant 16 : i32
      %add3A_379 = vector.broadcast %add3A_378 : i32 to vector<16xi32>
      %add3A_380 = arith.addi %xor3A_13, %add3A_379 : vector<16xi32>
      %select_n3A_381 = arith.select %lt3A_377, %add3A_380, %xor3A_13 : vector<16xi1>, vector<16xi32>
      %broadcast_in_dim3A_382 = vector.shape_cast %select_n3A_381 : vector<16xi32> to vector<16x1xi32>
      %gather3A_383 = vector.shape_cast %broadcast_in_dim3A_382 : vector<16x1xi32> to vector<16xi32>
      %gather3A_384 = tpu.dynamic_gather %exp3A_374[%gather3A_383] in [0] : vector<16xf32>, vector<16xi32> -> vector<16xf32>
      %add3A_385 = arith.addf %exp3A_374, %gather3A_384 : vector<16xf32>
      %lt3A_386 = arith.constant 0 : i32
      %lt3A_387 = vector.broadcast %lt3A_386 : i32 to vector<16xi32>
      %lt3A_388 = arith.cmpi slt, %xor3A_16, %lt3A_387 : vector<16xi32>
      %add3A_389 = arith.constant 16 : i32
      %add3A_390 = vector.broadcast %add3A_389 : i32 to vector<16xi32>
      %add3A_391 = arith.addi %xor3A_16, %add3A_390 : vector<16xi32>
      %select_n3A_392 = arith.select %lt3A_388, %add3A_391, %xor3A_16 : vector<16xi1>, vector<16xi32>
      %broadcast_in_dim3A_393 = vector.shape_cast %select_n3A_392 : vector<16xi32> to vector<16x1xi32>
      %gather3A_394 = vector.shape_cast %broadcast_in_dim3A_393 : vector<16x1xi32> to vector<16xi32>
      %gather3A_395 = tpu.dynamic_gather %add3A_385[%gather3A_394] in [0] : vector<16xf32>, vector<16xi32> -> vector<16xf32>
      %add3A_396 = arith.addf %add3A_385, %gather3A_395 : vector<16xf32>
      %lt3A_397 = arith.constant 0 : i32
      %lt3A_398 = vector.broadcast %lt3A_397 : i32 to vector<16xi32>
      %lt3A_399 = arith.cmpi slt, %xor3A_19, %lt3A_398 : vector<16xi32>
      %add3A_400 = arith.constant 16 : i32
      %add3A_401 = vector.broadcast %add3A_400 : i32 to vector<16xi32>
      %add3A_402 = arith.addi %xor3A_19, %add3A_401 : vector<16xi32>
      %select_n3A_403 = arith.select %lt3A_399, %add3A_402, %xor3A_19 : vector<16xi1>, vector<16xi32>
      %broadcast_in_dim3A_404 = vector.shape_cast %select_n3A_403 : vector<16xi32> to vector<16x1xi32>
      %gather3A_405 = vector.shape_cast %broadcast_in_dim3A_404 : vector<16x1xi32> to vector<16xi32>
      %gather3A_406 = tpu.dynamic_gather %add3A_396[%gather3A_405] in [0] : vector<16xf32>, vector<16xi32> -> vector<16xf32>
      %add3A_407 = arith.addf %add3A_396, %gather3A_406 : vector<16xf32>
      %lt3A_408 = arith.constant 0 : i32
      %lt3A_409 = vector.broadcast %lt3A_408 : i32 to vector<16xi32>
      %lt3A_410 = arith.cmpi slt, %xor3A_22, %lt3A_409 : vector<16xi32>
      %add3A_411 = arith.constant 16 : i32
      %add3A_412 = vector.broadcast %add3A_411 : i32 to vector<16xi32>
      %add3A_413 = arith.addi %xor3A_22, %add3A_412 : vector<16xi32>
      %select_n3A_414 = arith.select %lt3A_410, %add3A_413, %xor3A_22 : vector<16xi1>, vector<16xi32>
      %broadcast_in_dim3A_415 = vector.shape_cast %select_n3A_414 : vector<16xi32> to vector<16x1xi32>
      %gather3A_416 = vector.shape_cast %broadcast_in_dim3A_415 : vector<16x1xi32> to vector<16xi32>
      %gather3A_417 = tpu.dynamic_gather %add3A_407[%gather3A_416] in [0] : vector<16xf32>, vector<16xi32> -> vector<16xf32>
      %add3A_418 = arith.addf %add3A_407, %gather3A_417 : vector<16xf32>
      %div3A_419 = arith.divf %exp3A_374, %add3A_418 : vector<16xf32>
      %swap3A_420 = arith.index_cast %scan3A_324 : i32 to index
      %swap3A_421 = arith.constant 0 : index
      %swap3A_422 = tpu.vector_load %arg6[%swap3A_420, %swap3A_421] {strides = array<i32>} : memref<512x16xf32, #tpu.memory_space<vmem>>, vector<1x16xf32>,
      %swap3A_423 = vector.shape_cast %swap3A_422 : vector<1x16xf32> to vector<16xf32>
      %swap3A_424 = vector.shape_cast %div3A_419 : vector<16xf32> to vector<1x16xf32>
      tpu.vector_store %arg6[%swap3A_420, %swap3A_421], %swap3A_424 {strides = array<i32>} : memref<512x16xf32, #tpu.memory_space<vmem>>, vector<1x16xf32>,
      %scan3A_425 = arith.constant 4 : i32
      %scan3A_426 = arith.addi %scan3A_28, %scan3A_425 : i32
      %get3A_427 = arith.index_cast %scan3A_426 : i32 to index
      %get3A_428 = arith.constant 0 : index
      %get3A_429 = tpu.vector_load %arg6[%get3A_427, %get3A_428] {strides = array<i32>} : memref<512x16xf32, #tpu.memory_space<vmem>>, vector<1x16xf32>,
      %get3A_430 = vector.shape_cast %get3A_429 : vector<1x16xf32> to vector<16xf32>
      %lt3A_431 = arith.constant 0 : i32
      %lt3A_432 = vector.broadcast %lt3A_431 : i32 to vector<16xi32>
      %lt3A_433 = arith.cmpi slt, %xor3A_13, %lt3A_432 : vector<16xi32>
      %add3A_434 = arith.constant 16 : i32
      %add3A_435 = vector.broadcast %add3A_434 : i32 to vector<16xi32>
      %add3A_436 = arith.addi %xor3A_13, %add3A_435 : vector<16xi32>
      %select_n3A_437 = arith.select %lt3A_433, %add3A_436, %xor3A_13 : vector<16xi1>, vector<16xi32>
      %broadcast_in_dim3A_438 = vector.shape_cast %select_n3A_437 : vector<16xi32> to vector<16x1xi32>
      %gather3A_439 = vector.shape_cast %broadcast_in_dim3A_438 : vector<16x1xi32> to vector<16xi32>
      %gather3A_440 = tpu.dynamic_gather %get3A_430[%gather3A_439] in [0] : vector<16xf32>, vector<16xi32> -> vector<16xf32>
      %max3A_441 = arith.maximumf %get3A_430, %gather3A_440 : vector<16xf32>
      %lt3A_442 = arith.constant 0 : i32
      %lt3A_443 = vector.broadcast %lt3A_442 : i32 to vector<16xi32>
      %lt3A_444 = arith.cmpi slt, %xor3A_16, %lt3A_443 : vector<16xi32>
      %add3A_445 = arith.constant 16 : i32
      %add3A_446 = vector.broadcast %add3A_445 : i32 to vector<16xi32>
      %add3A_447 = arith.addi %xor3A_16, %add3A_446 : vector<16xi32>
      %select_n3A_448 = arith.select %lt3A_444, %add3A_447, %xor3A_16 : vector<16xi1>, vector<16xi32>
      %broadcast_in_dim3A_449 = vector.shape_cast %select_n3A_448 : vector<16xi32> to vector<16x1xi32>
      %gather3A_450 = vector.shape_cast %broadcast_in_dim3A_449 : vector<16x1xi32> to vector<16xi32>
      %gather3A_451 = tpu.dynamic_gather %max3A_441[%gather3A_450] in [0] : vector<16xf32>, vector<16xi32> -> vector<16xf32>
      %max3A_452 = arith.maximumf %max3A_441, %gather3A_451 : vector<16xf32>
      %lt3A_453 = arith.constant 0 : i32
      %lt3A_454 = vector.broadcast %lt3A_453 : i32 to vector<16xi32>
      %lt3A_455 = arith.cmpi slt, %xor3A_19, %lt3A_454 : vector<16xi32>
      %add3A_456 = arith.constant 16 : i32
      %add3A_457 = vector.broadcast %add3A_456 : i32 to vector<16xi32>
      %add3A_458 = arith.addi %xor3A_19, %add3A_457 : vector<16xi32>
      %select_n3A_459 = arith.select %lt3A_455, %add3A_458, %xor3A_19 : vector<16xi1>, vector<16xi32>
      %broadcast_in_dim3A_460 = vector.shape_cast %select_n3A_459 : vector<16xi32> to vector<16x1xi32>
      %gather3A_461 = vector.shape_cast %broadcast_in_dim3A_460 : vector<16x1xi32> to vector<16xi32>
      %gather3A_462 = tpu.dynamic_gather %max3A_452[%gather3A_461] in [0] : vector<16xf32>, vector<16xi32> -> vector<16xf32>
      %max3A_463 = arith.maximumf %max3A_452, %gather3A_462 : vector<16xf32>
      %lt3A_464 = arith.constant 0 : i32
      %lt3A_465 = vector.broadcast %lt3A_464 : i32 to vector<16xi32>
      %lt3A_466 = arith.cmpi slt, %xor3A_22, %lt3A_465 : vector<16xi32>
      %add3A_467 = arith.constant 16 : i32
      %add3A_468 = vector.broadcast %add3A_467 : i32 to vector<16xi32>
      %add3A_469 = arith.addi %xor3A_22, %add3A_468 : vector<16xi32>
      %select_n3A_470 = arith.select %lt3A_466, %add3A_469, %xor3A_22 : vector<16xi1>, vector<16xi32>
      %broadcast_in_dim3A_471 = vector.shape_cast %select_n3A_470 : vector<16xi32> to vector<16x1xi32>
      %gather3A_472 = vector.shape_cast %broadcast_in_dim3A_471 : vector<16x1xi32> to vector<16xi32>
      %gather3A_473 = tpu.dynamic_gather %max3A_463[%gather3A_472] in [0] : vector<16xf32>, vector<16xi32> -> vector<16xf32>
      %max3A_474 = arith.maximumf %max3A_463, %gather3A_473 : vector<16xf32>
      %sub3A_475 = arith.subf %get3A_430, %max3A_474 : vector<16xf32>
      %exp3A_476 = math.exp %sub3A_475 : vector<16xf32>
      %lt3A_477 = arith.constant 0 : i32
      %lt3A_478 = vector.broadcast %lt3A_477 : i32 to vector<16xi32>
      %lt3A_479 = arith.cmpi slt, %xor3A_13, %lt3A_478 : vector<16xi32>
      %add3A_480 = arith.constant 16 : i32
      %add3A_481 = vector.broadcast %add3A_480 : i32 to vector<16xi32>
      %add3A_482 = arith.addi %xor3A_13, %add3A_481 : vector<16xi32>
      %select_n3A_483 = arith.select %lt3A_479, %add3A_482, %xor3A_13 : vector<16xi1>, vector<16xi32>
      %broadcast_in_dim3A_484 = vector.shape_cast %select_n3A_483 : vector<16xi32> to vector<16x1xi32>
      %gather3A_485 = vector.shape_cast %broadcast_in_dim3A_484 : vector<16x1xi32> to vector<16xi32>
      %gather3A_486 = tpu.dynamic_gather %exp3A_476[%gather3A_485] in [0] : vector<16xf32>, vector<16xi32> -> vector<16xf32>
      %add3A_487 = arith.addf %exp3A_476, %gather3A_486 : vector<16xf32>
      %lt3A_488 = arith.constant 0 : i32
      %lt3A_489 = vector.broadcast %lt3A_488 : i32 to vector<16xi32>
      %lt3A_490 = arith.cmpi slt, %xor3A_16, %lt3A_489 : vector<16xi32>
      %add3A_491 = arith.constant 16 : i32
      %add3A_492 = vector.broadcast %add3A_491 : i32 to vector<16xi32>
      %add3A_493 = arith.addi %xor3A_16, %add3A_492 : vector<16xi32>
      %select_n3A_494 = arith.select %lt3A_490, %add3A_493, %xor3A_16 : vector<16xi1>, vector<16xi32>
      %broadcast_in_dim3A_495 = vector.shape_cast %select_n3A_494 : vector<16xi32> to vector<16x1xi32>
      %gather3A_496 = vector.shape_cast %broadcast_in_dim3A_495 : vector<16x1xi32> to vector<16xi32>
      %gather3A_497 = tpu.dynamic_gather %add3A_487[%gather3A_496] in [0] : vector<16xf32>, vector<16xi32> -> vector<16xf32>
      %add3A_498 = arith.addf %add3A_487, %gather3A_497 : vector<16xf32>
      %lt3A_499 = arith.constant 0 : i32
      %lt3A_500 = vector.broadcast %lt3A_499 : i32 to vector<16xi32>
      %lt3A_501 = arith.cmpi slt, %xor3A_19, %lt3A_500 : vector<16xi32>
      %add3A_502 = arith.constant 16 : i32
      %add3A_503 = vector.broadcast %add3A_502 : i32 to vector<16xi32>
      %add3A_504 = arith.addi %xor3A_19, %add3A_503 : vector<16xi32>
      %select_n3A_505 = arith.select %lt3A_501, %add3A_504, %xor3A_19 : vector<16xi1>, vector<16xi32>
      %broadcast_in_dim3A_506 = vector.shape_cast %select_n3A_505 : vector<16xi32> to vector<16x1xi32>
      %gather3A_507 = vector.shape_cast %broadcast_in_dim3A_506 : vector<16x1xi32> to vector<16xi32>
      %gather3A_508 = tpu.dynamic_gather %add3A_498[%gather3A_507] in [0] : vector<16xf32>, vector<16xi32> -> vector<16xf32>
      %add3A_509 = arith.addf %add3A_498, %gather3A_508 : vector<16xf32>
      %lt3A_510 = arith.constant 0 : i32
      %lt3A_511 = vector.broadcast %lt3A_510 : i32 to vector<16xi32>
      %lt3A_512 = arith.cmpi slt, %xor3A_22, %lt3A_511 : vector<16xi32>
      %add3A_513 = arith.constant 16 : i32
      %add3A_514 = vector.broadcast %add3A_513 : i32 to vector<16xi32>
      %add3A_515 = arith.addi %xor3A_22, %add3A_514 : vector<16xi32>
      %select_n3A_516 = arith.select %lt3A_512, %add3A_515, %xor3A_22 : vector<16xi1>, vector<16xi32>
      %broadcast_in_dim3A_517 = vector.shape_cast %select_n3A_516 : vector<16xi32> to vector<16x1xi32>
      %gather3A_518 = vector.shape_cast %broadcast_in_dim3A_517 : vector<16x1xi32> to vector<16xi32>
      %gather3A_519 = tpu.dynamic_gather %add3A_509[%gather3A_518] in [0] : vector<16xf32>, vector<16xi32> -> vector<16xf32>
      %add3A_520 = arith.addf %add3A_509, %gather3A_519 : vector<16xf32>
      %div3A_521 = arith.divf %exp3A_476, %add3A_520 : vector<16xf32>
      %swap3A_522 = arith.index_cast %scan3A_426 : i32 to index
      %swap3A_523 = arith.constant 0 : index
      %swap3A_524 = tpu.vector_load %arg6[%swap3A_522, %swap3A_523] {strides = array<i32>} : memref<512x16xf32, #tpu.memory_space<vmem>>, vector<1x16xf32>,
      %swap3A_525 = vector.shape_cast %swap3A_524 : vector<1x16xf32> to vector<16xf32>
      %swap3A_526 = vector.shape_cast %div3A_521 : vector<16xf32> to vector<1x16xf32>
      tpu.vector_store %arg6[%swap3A_522, %swap3A_523], %swap3A_526 {strides = array<i32>} : memref<512x16xf32, #tpu.memory_space<vmem>>, vector<1x16xf32>,
      %scan3A_527 = arith.constant 5 : i32
      %scan3A_528 = arith.addi %scan3A_28, %scan3A_527 : i32
      %get3A_529 = arith.index_cast %scan3A_528 : i32 to index
      %get3A_530 = arith.constant 0 : index
      %get3A_531 = tpu.vector_load %arg6[%get3A_529, %get3A_530] {strides = array<i32>} : memref<512x16xf32, #tpu.memory_space<vmem>>, vector<1x16xf32>,
      %get3A_532 = vector.shape_cast %get3A_531 : vector<1x16xf32> to vector<16xf32>
      %lt3A_533 = arith.constant 0 : i32
      %lt3A_534 = vector.broadcast %lt3A_533 : i32 to vector<16xi32>
      %lt3A_535 = arith.cmpi slt, %xor3A_13, %lt3A_534 : vector<16xi32>
      %add3A_536 = arith.constant 16 : i32
      %add3A_537 = vector.broadcast %add3A_536 : i32 to vector<16xi32>
      %add3A_538 = arith.addi %xor3A_13, %add3A_537 : vector<16xi32>
      %select_n3A_539 = arith.select %lt3A_535, %add3A_538, %xor3A_13 : vector<16xi1>, vector<16xi32>
      %broadcast_in_dim3A_540 = vector.shape_cast %select_n3A_539 : vector<16xi32> to vector<16x1xi32>
      %gather3A_541 = vector.shape_cast %broadcast_in_dim3A_540 : vector<16x1xi32> to vector<16xi32>
      %gather3A_542 = tpu.dynamic_gather %get3A_532[%gather3A_541] in [0] : vector<16xf32>, vector<16xi32> -> vector<16xf32>
      %max3A_543 = arith.maximumf %get3A_532, %gather3A_542 : vector<16xf32>
      %lt3A_544 = arith.constant 0 : i32
      %lt3A_545 = vector.broadcast %lt3A_544 : i32 to vector<16xi32>
      %lt3A_546 = arith.cmpi slt, %xor3A_16, %lt3A_545 : vector<16xi32>
      %add3A_547 = arith.constant 16 : i32
      %add3A_548 = vector.broadcast %add3A_547 : i32 to vector<16xi32>
      %add3A_549 = arith.addi %xor3A_16, %add3A_548 : vector<16xi32>
      %select_n3A_550 = arith.select %lt3A_546, %add3A_549, %xor3A_16 : vector<16xi1>, vector<16xi32>
      %broadcast_in_dim3A_551 = vector.shape_cast %select_n3A_550 : vector<16xi32> to vector<16x1xi32>
      %gather3A_552 = vector.shape_cast %broadcast_in_dim3A_551 : vector<16x1xi32> to vector<16xi32>
      %gather3A_553 = tpu.dynamic_gather %max3A_543[%gather3A_552] in [0] : vector<16xf32>, vector<16xi32> -> vector<16xf32>
      %max3A_554 = arith.maximumf %max3A_543, %gather3A_553 : vector<16xf32>
      %lt3A_555 = arith.constant 0 : i32
      %lt3A_556 = vector.broadcast %lt3A_555 : i32 to vector<16xi32>
      %lt3A_557 = arith.cmpi slt, %xor3A_19, %lt3A_556 : vector<16xi32>
      %add3A_558 = arith.constant 16 : i32
      %add3A_559 = vector.broadcast %add3A_558 : i32 to vector<16xi32>
      %add3A_560 = arith.addi %xor3A_19, %add3A_559 : vector<16xi32>
      %select_n3A_561 = arith.select %lt3A_557, %add3A_560, %xor3A_19 : vector<16xi1>, vector<16xi32>
      %broadcast_in_dim3A_562 = vector.shape_cast %select_n3A_561 : vector<16xi32> to vector<16x1xi32>
      %gather3A_563 = vector.shape_cast %broadcast_in_dim3A_562 : vector<16x1xi32> to vector<16xi32>
      %gather3A_564 = tpu.dynamic_gather %max3A_554[%gather3A_563] in [0] : vector<16xf32>, vector<16xi32> -> vector<16xf32>
      %max3A_565 = arith.maximumf %max3A_554, %gather3A_564 : vector<16xf32>
      %lt3A_566 = arith.constant 0 : i32
      %lt3A_567 = vector.broadcast %lt3A_566 : i32 to vector<16xi32>
      %lt3A_568 = arith.cmpi slt, %xor3A_22, %lt3A_567 : vector<16xi32>
      %add3A_569 = arith.constant 16 : i32
      %add3A_570 = vector.broadcast %add3A_569 : i32 to vector<16xi32>
      %add3A_571 = arith.addi %xor3A_22, %add3A_570 : vector<16xi32>
      %select_n3A_572 = arith.select %lt3A_568, %add3A_571, %xor3A_22 : vector<16xi1>, vector<16xi32>
      %broadcast_in_dim3A_573 = vector.shape_cast %select_n3A_572 : vector<16xi32> to vector<16x1xi32>
      %gather3A_574 = vector.shape_cast %broadcast_in_dim3A_573 : vector<16x1xi32> to vector<16xi32>
      %gather3A_575 = tpu.dynamic_gather %max3A_565[%gather3A_574] in [0] : vector<16xf32>, vector<16xi32> -> vector<16xf32>
      %max3A_576 = arith.maximumf %max3A_565, %gather3A_575 : vector<16xf32>
      %sub3A_577 = arith.subf %get3A_532, %max3A_576 : vector<16xf32>
      %exp3A_578 = math.exp %sub3A_577 : vector<16xf32>
      %lt3A_579 = arith.constant 0 : i32
      %lt3A_580 = vector.broadcast %lt3A_579 : i32 to vector<16xi32>
      %lt3A_581 = arith.cmpi slt, %xor3A_13, %lt3A_580 : vector<16xi32>
      %add3A_582 = arith.constant 16 : i32
      %add3A_583 = vector.broadcast %add3A_582 : i32 to vector<16xi32>
      %add3A_584 = arith.addi %xor3A_13, %add3A_583 : vector<16xi32>
      %select_n3A_585 = arith.select %lt3A_581, %add3A_584, %xor3A_13 : vector<16xi1>, vector<16xi32>
      %broadcast_in_dim3A_586 = vector.shape_cast %select_n3A_585 : vector<16xi32> to vector<16x1xi32>
      %gather3A_587 = vector.shape_cast %broadcast_in_dim3A_586 : vector<16x1xi32> to vector<16xi32>
      %gather3A_588 = tpu.dynamic_gather %exp3A_578[%gather3A_587] in [0] : vector<16xf32>, vector<16xi32> -> vector<16xf32>
      %add3A_589 = arith.addf %exp3A_578, %gather3A_588 : vector<16xf32>
      %lt3A_590 = arith.constant 0 : i32
      %lt3A_591 = vector.broadcast %lt3A_590 : i32 to vector<16xi32>
      %lt3A_592 = arith.cmpi slt, %xor3A_16, %lt3A_591 : vector<16xi32>
      %add3A_593 = arith.constant 16 : i32
      %add3A_594 = vector.broadcast %add3A_593 : i32 to vector<16xi32>
      %add3A_595 = arith.addi %xor3A_16, %add3A_594 : vector<16xi32>
      %select_n3A_596 = arith.select %lt3A_592, %add3A_595, %xor3A_16 : vector<16xi1>, vector<16xi32>
      %broadcast_in_dim3A_597 = vector.shape_cast %select_n3A_596 : vector<16xi32> to vector<16x1xi32>
      %gather3A_598 = vector.shape_cast %broadcast_in_dim3A_597 : vector<16x1xi32> to vector<16xi32>
      %gather3A_599 = tpu.dynamic_gather %add3A_589[%gather3A_598] in [0] : vector<16xf32>, vector<16xi32> -> vector<16xf32>
      %add3A_600 = arith.addf %add3A_589, %gather3A_599 : vector<16xf32>
      %lt3A_601 = arith.constant 0 : i32
      %lt3A_602 = vector.broadcast %lt3A_601 : i32 to vector<16xi32>
      %lt3A_603 = arith.cmpi slt, %xor3A_19, %lt3A_602 : vector<16xi32>
      %add3A_604 = arith.constant 16 : i32
      %add3A_605 = vector.broadcast %add3A_604 : i32 to vector<16xi32>
      %add3A_606 = arith.addi %xor3A_19, %add3A_605 : vector<16xi32>
      %select_n3A_607 = arith.select %lt3A_603, %add3A_606, %xor3A_19 : vector<16xi1>, vector<16xi32>
      %broadcast_in_dim3A_608 = vector.shape_cast %select_n3A_607 : vector<16xi32> to vector<16x1xi32>
      %gather3A_609 = vector.shape_cast %broadcast_in_dim3A_608 : vector<16x1xi32> to vector<16xi32>
      %gather3A_610 = tpu.dynamic_gather %add3A_600[%gather3A_609] in [0] : vector<16xf32>, vector<16xi32> -> vector<16xf32>
      %add3A_611 = arith.addf %add3A_600, %gather3A_610 : vector<16xf32>
      %lt3A_612 = arith.constant 0 : i32
      %lt3A_613 = vector.broadcast %lt3A_612 : i32 to vector<16xi32>
      %lt3A_614 = arith.cmpi slt, %xor3A_22, %lt3A_613 : vector<16xi32>
      %add3A_615 = arith.constant 16 : i32
      %add3A_616 = vector.broadcast %add3A_615 : i32 to vector<16xi32>
      %add3A_617 = arith.addi %xor3A_22, %add3A_616 : vector<16xi32>
      %select_n3A_618 = arith.select %lt3A_614, %add3A_617, %xor3A_22 : vector<16xi1>, vector<16xi32>
      %broadcast_in_dim3A_619 = vector.shape_cast %select_n3A_618 : vector<16xi32> to vector<16x1xi32>
      %gather3A_620 = vector.shape_cast %broadcast_in_dim3A_619 : vector<16x1xi32> to vector<16xi32>
      %gather3A_621 = tpu.dynamic_gather %add3A_611[%gather3A_620] in [0] : vector<16xf32>, vector<16xi32> -> vector<16xf32>
      %add3A_622 = arith.addf %add3A_611, %gather3A_621 : vector<16xf32>
      %div3A_623 = arith.divf %exp3A_578, %add3A_622 : vector<16xf32>
      %swap3A_624 = arith.index_cast %scan3A_528 : i32 to index
      %swap3A_625 = arith.constant 0 : index
      %swap3A_626 = tpu.vector_load %arg6[%swap3A_624, %swap3A_625] {strides = array<i32>} : memref<512x16xf32, #tpu.memory_space<vmem>>, vector<1x16xf32>,
      %swap3A_627 = vector.shape_cast %swap3A_626 : vector<1x16xf32> to vector<16xf32>
      %swap3A_628 = vector.shape_cast %div3A_623 : vector<16xf32> to vector<1x16xf32>
      tpu.vector_store %arg6[%swap3A_624, %swap3A_625], %swap3A_628 {strides = array<i32>} : memref<512x16xf32, #tpu.memory_space<vmem>>, vector<1x16xf32>,
      %scan3A_629 = arith.constant 6 : i32
      %scan3A_630 = arith.addi %scan3A_28, %scan3A_629 : i32
      %get3A_631 = arith.index_cast %scan3A_630 : i32 to index
      %get3A_632 = arith.constant 0 : index
      %get3A_633 = tpu.vector_load %arg6[%get3A_631, %get3A_632] {strides = array<i32>} : memref<512x16xf32, #tpu.memory_space<vmem>>, vector<1x16xf32>,
      %get3A_634 = vector.shape_cast %get3A_633 : vector<1x16xf32> to vector<16xf32>
      %lt3A_635 = arith.constant 0 : i32
      %lt3A_636 = vector.broadcast %lt3A_635 : i32 to vector<16xi32>
      %lt3A_637 = arith.cmpi slt, %xor3A_13, %lt3A_636 : vector<16xi32>
      %add3A_638 = arith.constant 16 : i32
      %add3A_639 = vector.broadcast %add3A_638 : i32 to vector<16xi32>
      %add3A_640 = arith.addi %xor3A_13, %add3A_639 : vector<16xi32>
      %select_n3A_641 = arith.select %lt3A_637, %add3A_640, %xor3A_13 : vector<16xi1>, vector<16xi32>
      %broadcast_in_dim3A_642 = vector.shape_cast %select_n3A_641 : vector<16xi32> to vector<16x1xi32>
      %gather3A_643 = vector.shape_cast %broadcast_in_dim3A_642 : vector<16x1xi32> to vector<16xi32>
      %gather3A_644 = tpu.dynamic_gather %get3A_634[%gather3A_643] in [0] : vector<16xf32>, vector<16xi32> -> vector<16xf32>
      %max3A_645 = arith.maximumf %get3A_634, %gather3A_644 : vector<16xf32>
      %lt3A_646 = arith.constant 0 : i32
      %lt3A_647 = vector.broadcast %lt3A_646 : i32 to vector<16xi32>
      %lt3A_648 = arith.cmpi slt, %xor3A_16, %lt3A_647 : vector<16xi32>
      %add3A_649 = arith.constant 16 : i32
      %add3A_650 = vector.broadcast %add3A_649 : i32 to vector<16xi32>
      %add3A_651 = arith.addi %xor3A_16, %add3A_650 : vector<16xi32>
      %select_n3A_652 = arith.select %lt3A_648, %add3A_651, %xor3A_16 : vector<16xi1>, vector<16xi32>
      %broadcast_in_dim3A_653 = vector.shape_cast %select_n3A_652 : vector<16xi32> to vector<16x1xi32>
      %gather3A_654 = vector.shape_cast %broadcast_in_dim3A_653 : vector<16x1xi32> to vector<16xi32>
      %gather3A_655 = tpu.dynamic_gather %max3A_645[%gather3A_654] in [0] : vector<16xf32>, vector<16xi32> -> vector<16xf32>
      %max3A_656 = arith.maximumf %max3A_645, %gather3A_655 : vector<16xf32>
      %lt3A_657 = arith.constant 0 : i32
      %lt3A_658 = vector.broadcast %lt3A_657 : i32 to vector<16xi32>
      %lt3A_659 = arith.cmpi slt, %xor3A_19, %lt3A_658 : vector<16xi32>
      %add3A_660 = arith.constant 16 : i32
      %add3A_661 = vector.broadcast %add3A_660 : i32 to vector<16xi32>
      %add3A_662 = arith.addi %xor3A_19, %add3A_661 : vector<16xi32>
      %select_n3A_663 = arith.select %lt3A_659, %add3A_662, %xor3A_19 : vector<16xi1>, vector<16xi32>
      %broadcast_in_dim3A_664 = vector.shape_cast %select_n3A_663 : vector<16xi32> to vector<16x1xi32>
      %gather3A_665 = vector.shape_cast %broadcast_in_dim3A_664 : vector<16x1xi32> to vector<16xi32>
      %gather3A_666 = tpu.dynamic_gather %max3A_656[%gather3A_665] in [0] : vector<16xf32>, vector<16xi32> -> vector<16xf32>
      %max3A_667 = arith.maximumf %max3A_656, %gather3A_666 : vector<16xf32>
      %lt3A_668 = arith.constant 0 : i32
      %lt3A_669 = vector.broadcast %lt3A_668 : i32 to vector<16xi32>
      %lt3A_670 = arith.cmpi slt, %xor3A_22, %lt3A_669 : vector<16xi32>
      %add3A_671 = arith.constant 16 : i32
      %add3A_672 = vector.broadcast %add3A_671 : i32 to vector<16xi32>
      %add3A_673 = arith.addi %xor3A_22, %add3A_672 : vector<16xi32>
      %select_n3A_674 = arith.select %lt3A_670, %add3A_673, %xor3A_22 : vector<16xi1>, vector<16xi32>
      %broadcast_in_dim3A_675 = vector.shape_cast %select_n3A_674 : vector<16xi32> to vector<16x1xi32>
      %gather3A_676 = vector.shape_cast %broadcast_in_dim3A_675 : vector<16x1xi32> to vector<16xi32>
      %gather3A_677 = tpu.dynamic_gather %max3A_667[%gather3A_676] in [0] : vector<16xf32>, vector<16xi32> -> vector<16xf32>
      %max3A_678 = arith.maximumf %max3A_667, %gather3A_677 : vector<16xf32>
      %sub3A_679 = arith.subf %get3A_634, %max3A_678 : vector<16xf32>
      %exp3A_680 = math.exp %sub3A_679 : vector<16xf32>
      %lt3A_681 = arith.constant 0 : i32
      %lt3A_682 = vector.broadcast %lt3A_681 : i32 to vector<16xi32>
      %lt3A_683 = arith.cmpi slt, %xor3A_13, %lt3A_682 : vector<16xi32>
      %add3A_684 = arith.constant 16 : i32
      %add3A_685 = vector.broadcast %add3A_684 : i32 to vector<16xi32>
      %add3A_686 = arith.addi %xor3A_13, %add3A_685 : vector<16xi32>
      %select_n3A_687 = arith.select %lt3A_683, %add3A_686, %xor3A_13 : vector<16xi1>, vector<16xi32>
      %broadcast_in_dim3A_688 = vector.shape_cast %select_n3A_687 : vector<16xi32> to vector<16x1xi32>
      %gather3A_689 = vector.shape_cast %broadcast_in_dim3A_688 : vector<16x1xi32> to vector<16xi32>
      %gather3A_690 = tpu.dynamic_gather %exp3A_680[%gather3A_689] in [0] : vector<16xf32>, vector<16xi32> -> vector<16xf32>
      %add3A_691 = arith.addf %exp3A_680, %gather3A_690 : vector<16xf32>
      %lt3A_692 = arith.constant 0 : i32
      %lt3A_693 = vector.broadcast %lt3A_692 : i32 to vector<16xi32>
      %lt3A_694 = arith.cmpi slt, %xor3A_16, %lt3A_693 : vector<16xi32>
      %add3A_695 = arith.constant 16 : i32
      %add3A_696 = vector.broadcast %add3A_695 : i32 to vector<16xi32>
      %add3A_697 = arith.addi %xor3A_16, %add3A_696 : vector<16xi32>
      %select_n3A_698 = arith.select %lt3A_694, %add3A_697, %xor3A_16 : vector<16xi1>, vector<16xi32>
      %broadcast_in_dim3A_699 = vector.shape_cast %select_n3A_698 : vector<16xi32> to vector<16x1xi32>
      %gather3A_700 = vector.shape_cast %broadcast_in_dim3A_699 : vector<16x1xi32> to vector<16xi32>
      %gather3A_701 = tpu.dynamic_gather %add3A_691[%gather3A_700] in [0] : vector<16xf32>, vector<16xi32> -> vector<16xf32>
      %add3A_702 = arith.addf %add3A_691, %gather3A_701 : vector<16xf32>
      %lt3A_703 = arith.constant 0 : i32
      %lt3A_704 = vector.broadcast %lt3A_703 : i32 to vector<16xi32>
      %lt3A_705 = arith.cmpi slt, %xor3A_19, %lt3A_704 : vector<16xi32>
      %add3A_706 = arith.constant 16 : i32
      %add3A_707 = vector.broadcast %add3A_706 : i32 to vector<16xi32>
      %add3A_708 = arith.addi %xor3A_19, %add3A_707 : vector<16xi32>
      %select_n3A_709 = arith.select %lt3A_705, %add3A_708, %xor3A_19 : vector<16xi1>, vector<16xi32>
      %broadcast_in_dim3A_710 = vector.shape_cast %select_n3A_709 : vector<16xi32> to vector<16x1xi32>
      %gather3A_711 = vector.shape_cast %broadcast_in_dim3A_710 : vector<16x1xi32> to vector<16xi32>
      %gather3A_712 = tpu.dynamic_gather %add3A_702[%gather3A_711] in [0] : vector<16xf32>, vector<16xi32> -> vector<16xf32>
      %add3A_713 = arith.addf %add3A_702, %gather3A_712 : vector<16xf32>
      %lt3A_714 = arith.constant 0 : i32
      %lt3A_715 = vector.broadcast %lt3A_714 : i32 to vector<16xi32>
      %lt3A_716 = arith.cmpi slt, %xor3A_22, %lt3A_715 : vector<16xi32>
      %add3A_717 = arith.constant 16 : i32
      %add3A_718 = vector.broadcast %add3A_717 : i32 to vector<16xi32>
      %add3A_719 = arith.addi %xor3A_22, %add3A_718 : vector<16xi32>
      %select_n3A_720 = arith.select %lt3A_716, %add3A_719, %xor3A_22 : vector<16xi1>, vector<16xi32>
      %broadcast_in_dim3A_721 = vector.shape_cast %select_n3A_720 : vector<16xi32> to vector<16x1xi32>
      %gather3A_722 = vector.shape_cast %broadcast_in_dim3A_721 : vector<16x1xi32> to vector<16xi32>
      %gather3A_723 = tpu.dynamic_gather %add3A_713[%gather3A_722] in [0] : vector<16xf32>, vector<16xi32> -> vector<16xf32>
      %add3A_724 = arith.addf %add3A_713, %gather3A_723 : vector<16xf32>
      %div3A_725 = arith.divf %exp3A_680, %add3A_724 : vector<16xf32>
      %swap3A_726 = arith.index_cast %scan3A_630 : i32 to index
      %swap3A_727 = arith.constant 0 : index
      %swap3A_728 = tpu.vector_load %arg6[%swap3A_726, %swap3A_727] {strides = array<i32>} : memref<512x16xf32, #tpu.memory_space<vmem>>, vector<1x16xf32>,
      %swap3A_729 = vector.shape_cast %swap3A_728 : vector<1x16xf32> to vector<16xf32>
      %swap3A_730 = vector.shape_cast %div3A_725 : vector<16xf32> to vector<1x16xf32>
      tpu.vector_store %arg6[%swap3A_726, %swap3A_727], %swap3A_730 {strides = array<i32>} : memref<512x16xf32, #tpu.memory_space<vmem>>, vector<1x16xf32>,
      %scan3A_731 = arith.constant 7 : i32
      %scan3A_732 = arith.addi %scan3A_28, %scan3A_731 : i32
      %get3A_733 = arith.index_cast %scan3A_732 : i32 to index
      %get3A_734 = arith.constant 0 : index
      %get3A_735 = tpu.vector_load %arg6[%get3A_733, %get3A_734] {strides = array<i32>} : memref<512x16xf32, #tpu.memory_space<vmem>>, vector<1x16xf32>,
      %get3A_736 = vector.shape_cast %get3A_735 : vector<1x16xf32> to vector<16xf32>
      %lt3A_737 = arith.constant 0 : i32
      %lt3A_738 = vector.broadcast %lt3A_737 : i32 to vector<16xi32>
      %lt3A_739 = arith.cmpi slt, %xor3A_13, %lt3A_738 : vector<16xi32>
      %add3A_740 = arith.constant 16 : i32
      %add3A_741 = vector.broadcast %add3A_740 : i32 to vector<16xi32>
      %add3A_742 = arith.addi %xor3A_13, %add3A_741 : vector<16xi32>
      %select_n3A_743 = arith.select %lt3A_739, %add3A_742, %xor3A_13 : vector<16xi1>, vector<16xi32>
      %broadcast_in_dim3A_744 = vector.shape_cast %select_n3A_743 : vector<16xi32> to vector<16x1xi32>
      %gather3A_745 = vector.shape_cast %broadcast_in_dim3A_744 : vector<16x1xi32> to vector<16xi32>
      %gather3A_746 = tpu.dynamic_gather %get3A_736[%gather3A_745] in [0] : vector<16xf32>, vector<16xi32> -> vector<16xf32>
      %max3A_747 = arith.maximumf %get3A_736, %gather3A_746 : vector<16xf32>
      %lt3A_748 = arith.constant 0 : i32
      %lt3A_749 = vector.broadcast %lt3A_748 : i32 to vector<16xi32>
      %lt3A_750 = arith.cmpi slt, %xor3A_16, %lt3A_749 : vector<16xi32>
      %add3A_751 = arith.constant 16 : i32
      %add3A_752 = vector.broadcast %add3A_751 : i32 to vector<16xi32>
      %add3A_753 = arith.addi %xor3A_16, %add3A_752 : vector<16xi32>
      %select_n3A_754 = arith.select %lt3A_750, %add3A_753, %xor3A_16 : vector<16xi1>, vector<16xi32>
      %broadcast_in_dim3A_755 = vector.shape_cast %select_n3A_754 : vector<16xi32> to vector<16x1xi32>
      %gather3A_756 = vector.shape_cast %broadcast_in_dim3A_755 : vector<16x1xi32> to vector<16xi32>
      %gather3A_757 = tpu.dynamic_gather %max3A_747[%gather3A_756] in [0] : vector<16xf32>, vector<16xi32> -> vector<16xf32>
      %max3A_758 = arith.maximumf %max3A_747, %gather3A_757 : vector<16xf32>
      %lt3A_759 = arith.constant 0 : i32
      %lt3A_760 = vector.broadcast %lt3A_759 : i32 to vector<16xi32>
      %lt3A_761 = arith.cmpi slt, %xor3A_19, %lt3A_760 : vector<16xi32>
      %add3A_762 = arith.constant 16 : i32
      %add3A_763 = vector.broadcast %add3A_762 : i32 to vector<16xi32>
      %add3A_764 = arith.addi %xor3A_19, %add3A_763 : vector<16xi32>
      %select_n3A_765 = arith.select %lt3A_761, %add3A_764, %xor3A_19 : vector<16xi1>, vector<16xi32>
      %broadcast_in_dim3A_766 = vector.shape_cast %select_n3A_765 : vector<16xi32> to vector<16x1xi32>
      %gather3A_767 = vector.shape_cast %broadcast_in_dim3A_766 : vector<16x1xi32> to vector<16xi32>
      %gather3A_768 = tpu.dynamic_gather %max3A_758[%gather3A_767] in [0] : vector<16xf32>, vector<16xi32> -> vector<16xf32>
      %max3A_769 = arith.maximumf %max3A_758, %gather3A_768 : vector<16xf32>
      %lt3A_770 = arith.constant 0 : i32
      %lt3A_771 = vector.broadcast %lt3A_770 : i32 to vector<16xi32>
      %lt3A_772 = arith.cmpi slt, %xor3A_22, %lt3A_771 : vector<16xi32>
      %add3A_773 = arith.constant 16 : i32
      %add3A_774 = vector.broadcast %add3A_773 : i32 to vector<16xi32>
      %add3A_775 = arith.addi %xor3A_22, %add3A_774 : vector<16xi32>
      %select_n3A_776 = arith.select %lt3A_772, %add3A_775, %xor3A_22 : vector<16xi1>, vector<16xi32>
      %broadcast_in_dim3A_777 = vector.shape_cast %select_n3A_776 : vector<16xi32> to vector<16x1xi32>
      %gather3A_778 = vector.shape_cast %broadcast_in_dim3A_777 : vector<16x1xi32> to vector<16xi32>
      %gather3A_779 = tpu.dynamic_gather %max3A_769[%gather3A_778] in [0] : vector<16xf32>, vector<16xi32> -> vector<16xf32>
      %max3A_780 = arith.maximumf %max3A_769, %gather3A_779 : vector<16xf32>
      %sub3A_781 = arith.subf %get3A_736, %max3A_780 : vector<16xf32>
      %exp3A_782 = math.exp %sub3A_781 : vector<16xf32>
      %lt3A_783 = arith.constant 0 : i32
      %lt3A_784 = vector.broadcast %lt3A_783 : i32 to vector<16xi32>
      %lt3A_785 = arith.cmpi slt, %xor3A_13, %lt3A_784 : vector<16xi32>
      %add3A_786 = arith.constant 16 : i32
      %add3A_787 = vector.broadcast %add3A_786 : i32 to vector<16xi32>
      %add3A_788 = arith.addi %xor3A_13, %add3A_787 : vector<16xi32>
      %select_n3A_789 = arith.select %lt3A_785, %add3A_788, %xor3A_13 : vector<16xi1>, vector<16xi32>
      %broadcast_in_dim3A_790 = vector.shape_cast %select_n3A_789 : vector<16xi32> to vector<16x1xi32>
      %gather3A_791 = vector.shape_cast %broadcast_in_dim3A_790 : vector<16x1xi32> to vector<16xi32>
      %gather3A_792 = tpu.dynamic_gather %exp3A_782[%gather3A_791] in [0] : vector<16xf32>, vector<16xi32> -> vector<16xf32>
      %add3A_793 = arith.addf %exp3A_782, %gather3A_792 : vector<16xf32>
      %lt3A_794 = arith.constant 0 : i32
      %lt3A_795 = vector.broadcast %lt3A_794 : i32 to vector<16xi32>
      %lt3A_796 = arith.cmpi slt, %xor3A_16, %lt3A_795 : vector<16xi32>
      %add3A_797 = arith.constant 16 : i32
      %add3A_798 = vector.broadcast %add3A_797 : i32 to vector<16xi32>
      %add3A_799 = arith.addi %xor3A_16, %add3A_798 : vector<16xi32>
      %select_n3A_800 = arith.select %lt3A_796, %add3A_799, %xor3A_16 : vector<16xi1>, vector<16xi32>
      %broadcast_in_dim3A_801 = vector.shape_cast %select_n3A_800 : vector<16xi32> to vector<16x1xi32>
      %gather3A_802 = vector.shape_cast %broadcast_in_dim3A_801 : vector<16x1xi32> to vector<16xi32>
      %gather3A_803 = tpu.dynamic_gather %add3A_793[%gather3A_802] in [0] : vector<16xf32>, vector<16xi32> -> vector<16xf32>
      %add3A_804 = arith.addf %add3A_793, %gather3A_803 : vector<16xf32>
      %lt3A_805 = arith.constant 0 : i32
      %lt3A_806 = vector.broadcast %lt3A_805 : i32 to vector<16xi32>
      %lt3A_807 = arith.cmpi slt, %xor3A_19, %lt3A_806 : vector<16xi32>
      %add3A_808 = arith.constant 16 : i32
      %add3A_809 = vector.broadcast %add3A_808 : i32 to vector<16xi32>
      %add3A_810 = arith.addi %xor3A_19, %add3A_809 : vector<16xi32>
      %select_n3A_811 = arith.select %lt3A_807, %add3A_810, %xor3A_19 : vector<16xi1>, vector<16xi32>
      %broadcast_in_dim3A_812 = vector.shape_cast %select_n3A_811 : vector<16xi32> to vector<16x1xi32>
      %gather3A_813 = vector.shape_cast %broadcast_in_dim3A_812 : vector<16x1xi32> to vector<16xi32>
      %gather3A_814 = tpu.dynamic_gather %add3A_804[%gather3A_813] in [0] : vector<16xf32>, vector<16xi32> -> vector<16xf32>
      %add3A_815 = arith.addf %add3A_804, %gather3A_814 : vector<16xf32>
      %lt3A_816 = arith.constant 0 : i32
      %lt3A_817 = vector.broadcast %lt3A_816 : i32 to vector<16xi32>
      %lt3A_818 = arith.cmpi slt, %xor3A_22, %lt3A_817 : vector<16xi32>
      %add3A_819 = arith.constant 16 : i32
      %add3A_820 = vector.broadcast %add3A_819 : i32 to vector<16xi32>
      %add3A_821 = arith.addi %xor3A_22, %add3A_820 : vector<16xi32>
      %select_n3A_822 = arith.select %lt3A_818, %add3A_821, %xor3A_22 : vector<16xi1>, vector<16xi32>
      %broadcast_in_dim3A_823 = vector.shape_cast %select_n3A_822 : vector<16xi32> to vector<16x1xi32>
      %gather3A_824 = vector.shape_cast %broadcast_in_dim3A_823 : vector<16x1xi32> to vector<16xi32>
      %gather3A_825 = tpu.dynamic_gather %add3A_815[%gather3A_824] in [0] : vector<16xf32>, vector<16xi32> -> vector<16xf32>
      %add3A_826 = arith.addf %add3A_815, %gather3A_825 : vector<16xf32>
      %div3A_827 = arith.divf %exp3A_782, %add3A_826 : vector<16xf32>
      %swap3A_828 = arith.index_cast %scan3A_732 : i32 to index
      %swap3A_829 = arith.constant 0 : index
      %swap3A_830 = tpu.vector_load %arg6[%swap3A_828, %swap3A_829] {strides = array<i32>} : memref<512x16xf32, #tpu.memory_space<vmem>>, vector<1x16xf32>,
      %swap3A_831 = vector.shape_cast %swap3A_830 : vector<1x16xf32> to vector<16xf32>
      %swap3A_832 = vector.shape_cast %div3A_827 : vector<16xf32> to vector<1x16xf32>
      tpu.vector_store %arg6[%swap3A_828, %swap3A_829], %swap3A_832 {strides = array<i32>} : memref<512x16xf32, #tpu.memory_space<vmem>>, vector<1x16xf32>,
    }
    %scan3A_27 = arith.constant 512 : i32
    "tpu.region"() ({
      %run_scoped3A = tpu.sem_alloc : memref<!tpu.dma_semaphore, #tpu.memory_space<semaphore_mem>>
      %dma_start3A = arith.constant 0 : i32
      %dma_start3A_28 = tpu.memref_slice %arg4[%mul3A_2, %dma_start3A] : memref<16384x16xf32, #tpu.memory_space<hbm>> -> memref<512x16xf32, #tpu.memory_space<hbm>>
      %dma_start3A_29 = arith.constant 0 : i32
      %dma_start3A_30 = tpu.memref_slice %arg4[%mul3A_2, %dma_start3A_29] : memref<16384x16xf32, #tpu.memory_space<hbm>> -> memref<512x16xf32, #tpu.memory_space<hbm>>
      tpu.enqueue_dma source(%arg6 : memref<512x16xf32, #tpu.memory_space<vmem>>) target(%dma_start3A_30 : memref<512x16xf32, #tpu.memory_space<hbm>>) target_semaphore(%run_scoped3A : memref<!tpu.dma_semaphore, #tpu.memory_space<semaphore_mem>>)
      %dma_wait3A = arith.constant 0 : i32
      %dma_wait3A_31 = tpu.memref_slice %arg4[%mul3A_2, %dma_wait3A] : memref<16384x16xf32, #tpu.memory_space<hbm>> -> memref<512x16xf32, #tpu.memory_space<hbm>>
      %dma_wait3A_32 = arith.constant 0 : i32
      %dma_wait3A_33 = tpu.memref_slice %arg4[%mul3A_2, %dma_wait3A_32] : memref<16384x16xf32, #tpu.memory_space<hbm>> -> memref<512x16xf32, #tpu.memory_space<hbm>>
      tpu.wait_dma2 semaphore(%run_scoped3A : memref<!tpu.dma_semaphore, #tpu.memory_space<semaphore_mem>>) src(%arg6 : memref<512x16xf32, #tpu.memory_space<vmem>>) dst(%dma_wait3A_33 : memref<512x16xf32, #tpu.memory_space<hbm>>)
      tpu.yield
    }) : () -> ()
    return
  }
}

</mosaic_0001>

<sc_bundles>
// kernel: kernel.3.cloned.1.call-start
scs
__scs_entry_jumppad:
0x0: {  	(pc) =	sbr.rel $0x88, $3  }
0x1: {  	(tag) =	ssettag $0x0;
	lr =	simm.s32 $0x1  }
0x2: {  	[smem:$0x3F9F] =	sst lr;
	_ =	strace $0xD0000000  }
0x3: {  	_ = 	snop  }
0x4: {  	_ = 	snop  }
0x5: {  	_ = 	snop  }
0x6: {  	_ = 	snop  }
0x7: {  	_ = 	snop  }
__scs_overlays_trampoline_lowered:
0x8: {  	[smem:$0x3FAE] =	sst s0  }
0x9: {  	[smem:$0x3FAF] =	sst s1  }
0xa: {  	[smem:$0x3FB0] =	sst s2  }
0xb: {  	[smem:$0x3FB1] =	sst s3  }
0xc: {  	[smem:$0x3FB2] =	sst s4  }
0xd: {  	[smem:$0x3FB3] =	sst s5  }
0xe: {  	[smem:$0x3FB4] =	sst s6  }
0xf: {  	[smem:$0x3FB5] =	sst s7  }
0x10: {  	[smem:$0x3FB6] =	sst s8  }
0x11: {  	[smem:$0x3FB7] =	sst s9;
	s0 =	simm.s32 @!p0 $0x0  }
0x12: {  	s1 =	sld [smem:$0x3F9D];
	s0 =	simm.s32 @p0 $0x1  }
0x13: {  	[smem:$0x3FB8] =	sst s0;
	s0 =	simm.s32 @!p1 $0x0  }
0x14: {  	s2 =	sld [smem:$0x3F9C];
	s0 =	simm.s32 @p1 $0x1  }
0x15: {  	[smem:$0x3FB9] =	sst s0;
	s0 =	simm.s32 @!p2 $0x0  }
0x16: {  	s3 =	sld [smem:$0x3FDB];
	s0 =	simm.s32 @p2 $0x1  }
0x17: {  	s4 =	simm.s32 $0x1BF5;
	[smem:$0x3FBB] =	sst s0  }
0x18: {  	s0 =	sld [smem:$0x3F9E];
	_ =	swait.ge [sflag:s4], $0x0  }
0x19: {  	s7 =	sld [smem:$0x3F9F]  }
0x1a: {  	s8 =	sadd.s32 $0xFFFFE003, lr  }
0x1b: {  	s9 =	sadd.s32 $0xFFFFFEF7, lr;
	s5 =	simm.s32 $0xFFFFFFFF;
	p2 =	slt.u32 s8, $0xFFFFF086  }
0x1c: {  	p1 =	slt.u32 s9, $0xF7A;
	s5 =	simm.s32 @!p2 $0x0  }
0x1d: {  	s5 =	simm.s32 @p1 $0x1;
	p0 =	seq.s32 s7, s2  }
0x1e: {  	s7 =	smul.u32 @!p0 $0xF7A, s2;
	p2 =	seq.s32 @!p0 s5, $0x0  }
0x1f: {  	s9 =	smul.u32 $0xF7A, s1;
	s8 =	simm.s32 @!p0 $0x1BF5;
	p2 =	por !p2, p0  }
0x20: {  	[sflag:s8] =	ssyncset.s32 @!p0 $0xFFFFF086;
	s6 =	sadd.s32 @!p0 s3, s7;
	s7 =	simm.s32 @!p0 $0x108  }
0x21: {  	s3 =	sadd.s32 s3, s9;
	s6 =	sadd.s32 @!p0 $0x88, s6;
	s7 =	simm.s32 @p2 $0x1082  }
0x22: {  	[simem:s7], [sflag:s8] =	dma.local @!p0 [hbm:s6], $0xF7A  }
0x23: {  	s9 =	sor.u32 $0xD0000000, s2;
	s6 =	simm.s32 $0x108;
	_ =	swait.ge @!p0 [sflag:s8], $0x0  }
0x24: {  	s3 =	sadd.s32 $0x88, s3;
	s6 =	simm.s32 @!p1 $0x1082;
	[sflag:s4] =	ssyncset.s32 $0xFFFFF086  }
0x25: {  	[simem:s6], [sflag:s4] =	dma.local [hbm:s3], $0xF7A  }
0x26: {  	[smem:$0x3F9F] =	sst s1;
	(tag) =	ssettag s2;
	_ =	strace s9  }
0x27: {  	s1 =	sld [smem:$0x3FAF]  }
0x28: {  	s2 =	sld [smem:$0x3FB0]  }
0x29: {  	s4 =	sld [smem:$0x3FB2]  }
0x2a: {  	p0 =	seq.s32 s5, $0x0;
	s5 =	sld [smem:$0x3FB3]  }
0x2b: {  	s6 =	sld [smem:$0x3FB4]  }
0x2c: {  	s7 =	sld [smem:$0x3FB5]  }
0x2d: {  	s3 =	simm.s32 $0x108;
	s8 =	sld [smem:$0x3FB6]  }
0x2e: {  	s3 =	simm.s32 @!p0 $0x1082;
	s9 =	sld [smem:$0x3FB7]  }
0x2f: {  	lr =	sadd.s32 s0, s3;
	s0 =	sld [smem:$0x3FAE]  }
0x30: {  	s3 =	sld [smem:$0x3FB1]  }
0x31: {  	[smem:$0x3FBA] =	sst s10  }
0x32: {  	s10 =	sld [smem:$0x3FB8];
	_ =	sdelay $0x3  }
0x33: {  	p0 =	seq.s32 s10, $0x1;
	s10 =	sld [smem:$0x3FBA];
	_ =	sdelay $0x3  }
0x34: {  	[smem:$0x3FBA] =	sst s10  }
0x35: {  	s10 =	sld [smem:$0x3FB9];
	_ =	sdelay $0x3  }
0x36: {  	p1 =	seq.s32 s10, $0x1;
	s10 =	sld [smem:$0x3FBA];
	_ =	sdelay $0x3  }
0x37: {  	[smem:$0x3FBA] =	sst s10  }
0x38: {  	s10 =	sld [smem:$0x3FBB]  }
0x39: {  	_ = 	snop;
	(pc) =	sbr.ind lr, $3  }
0x3a: {  	_ = 	snop  }
0x3b: {  	_ = 	snop  }
0x3c: {  	p2 =	seq.s32 s10, $0x1;
	s10 =	sld [smem:$0x3FBA]  }
0x3d: {  	_ =	shalt  }
0x3e: {  	_ =	shalt  }
0x3f: {  	_ =	shalt  }
0x40: {  	_ =	shalt  }
0x41: {  	_ =	shalt  }
0x42: {  	_ =	shalt  }
0x43: {  	_ =	shalt  }
0x44: {  	_ =	shalt  }
0x45: {  	_ =	shalt  }
0x46: {  	_ =	shalt  }
0x47: {  	_ =	shalt  }
0x48: {  	_ =	shalt  }
0x49: {  	_ =	shalt  }
0x4a: {  	_ =	shalt  }
0x4b: {  	_ =	shalt  }
0x4c: {  	_ =	shalt  }
0x4d: {  	_ =	shalt  }
0x4e: {  	_ =	shalt  }
0x4f: {  	_ =	shalt  }
0x50: {  	_ =	shalt  }
0x51: {  	_ =	shalt  }
0x52: {  	_ =	shalt  }
0x53: {  	_ =	shalt  }
0x54: {  	_ =	shalt  }
0x55: {  	_ =	shalt  }
0x56: {  	_ =	shalt  }
0x57: {  	_ =	shalt  }
0x58: {  	_ =	shalt  }
0x59: {  	_ =	shalt  }
0x5a: {  	_ =	shalt  }
0x5b: {  	_ =	shalt  }
0x5c: {  	_ =	shalt  }
0x5d: {  	_ =	shalt  }
0x5e: {  	_ =	shalt  }
0x5f: {  	_ =	shalt  }
0x60: {  	_ =	shalt  }
0x61: {  	_ =	shalt  }
0x62: {  	_ =	shalt  }
0x63: {  	_ =	shalt  }
0x64: {  	_ =	shalt  }
0x65: {  	_ =	shalt  }
0x66: {  	_ =	shalt  }
0x67: {  	_ =	shalt  }
0x68: {  	_ =	shalt  }
0x69: {  	_ =	shalt  }
0x6a: {  	_ =	shalt  }
0x6b: {  	_ =	shalt  }
0x6c: {  	_ =	shalt  }
0x6d: {  	_ =	shalt  }
0x6e: {  	_ =	shalt  }
0x6f: {  	_ =	shalt  }
0x70: {  	_ =	shalt  }
0x71: {  	_ =	shalt  }
0x72: {  	_ =	shalt  }
0x73: {  	_ =	shalt  }
0x74: {  	_ =	shalt  }
0x75: {  	_ =	shalt  }
0x76: {  	_ =	shalt  }
0x77: {  	_ =	shalt  }
0x78: {  	_ =	shalt  }
0x79: {  	_ =	shalt  }
0x7a: {  	_ =	shalt  }
0x7b: {  	_ =	shalt  }
0x7c: {  	_ =	shalt  }
0x7d: {  	_ =	shalt  }
0x7e: {  	_ =	shalt  }
0x7f: {  	_ =	shalt  }
0x80: {  	_ =	shalt  }
0x81: {  	_ =	shalt  }
0x82: {  	_ =	shalt  }
0x83: {  	_ =	shalt  }
0x84: {  	_ =	shalt  }
0x85: {  	_ =	shalt  }
0x86: {  	_ =	shalt  }
0x87: {  	_ =	shalt  }
.Lfunc_end0:
.L_simem_size_0:
called_computation_lowered:
.L_overlay_start_0:
0x88: {  	s2 =	sld [smem:$0x3FD9]  }
0x89: {  	s3 =	sld [smem:$0x3FFE];
	_ =	sdelay $0x1  }
0x8a: {  	s1 =	srdreg.scid  }
0x8b: {  	s0 =	sand.u32 $0x1, s1  }
0x8c: {  	s17 =	sshll.u32 s0, $0xA;
	s2 =	sadd.s32 s3, s2  }
0x8d: {  	s2 =	sadd.s32 s2, s17  }
0x8e: {  	[smem:$0x3FC6] =	sst s2  }
0x8f: {  	_ = 	snop  }
0x90: {  	s2 =	sld [smem:$0x3FC9];
	(tm) =	ssettm $0x1  }
0x91: {  	s18 =	sld [smem:$0x3FFB];
	_ =	sdelay $0x3  }
0x92: {  	_ =	strace s18  }
0x93: {  	s3 =	sld [smem:$0x3FFC];
	_ =	sdelay $0x3  }
0x94: {  	_ =	strace s3  }
0x95: {  	s3 =	sld [smem:$0x3FFD];
	_ =	sdelay $0x3  }
0x96: {  	_ =	strace s3  }
0x97: {  	_ =	strace $0x8FFFFFFF  }
0x98: {  	s19 =	sld [smem:$0x3FDB];
	_ =	sdelay $0x1  }
0x99: {  	s4 =	simm.s32 $_scs_section_size  }
0x9a: {  	s5 =	simm.s32 $_size__tile_overlayer_lowered;
	s6 =	simm.s32 $_tile_overlayer_lowered  }
0x9b: {  	s22 =	simm.s32 $0x1BFF;
	s21 =	sshll.u32 s6, $0x1;
	s3 =	sadd.s32 s4, s19  }
0x9c: {  	s7 =	simm.s32 $0x0;
	s20 =	sshll.u32 s5, $0x1;
	s5 =	sadd.s32 s21, s3  }
0x9d: {  	[timem:s7], [sflag:s22] =	dma.local [hbm:s5], s20  }
0x9e: {  	_ =	swait.ge [sflag:s22], s20  }
0x9f: {  	s4 =	ssub.s32 $0x0, s20;
	[sflag:s22] =	ssyncset.done $0x0  }
0xa0: {  	[sflag:s22] =	ssyncadd.s32 s4;
	_ =	sdelay $0x1  }
0xa1: {  	s23 =	simm.s32 $0x1B8B  }
0xa2: {  	_ =	swait.ge [sflag:s23], $0x1  }
0xa3: {  	[sflag:s23] =	ssyncset.done $0x0  }
0xa4: {  	s25 =	simm.s32 $0x1B8E;
	s24 =	sld [smem:$0x3FFE];
	[sflag:s23] =	ssyncadd.s32 $0xFFFFFFFF  }
0xa5: {  	s26 =	simm.s32 $execute0_lowered;
	[smem:$0x3FD2] =	sst s25  }
0xa6: {  	s5 =	sshll.u32 s26, $0x1;
	_ =	strace $0x80000046;
	[dreg:$0x1] =	wrdreg $0xFFFFFFFF  }
0xa7: {  	s28 =	simm.s32 $_size_execute0_lowered;
	s3 =	sadd.s32 s3, s5;
	[dreg:$0x0] =	wrdreg $0x0  }
0xa8: {  	s5 =	sshll.u32 s28, $0x1;
	[dreg:$0x2] =	wrdreg s3  }
0xa9: {  	[dreg:$0x3] =	wrdreg s5  }
0xaa: {  	[dreg:$0x4] =	wrdreg $0xC0  }
0xab: {  	_ =	task [dreg:s7], $0x5FFFF  }
0xac: {  	[dreg:$0x1] =	wrdreg $0xFFFFFFFF  }
0xad: {  	[dreg:$0x0] =	wrdreg $0x60  }
0xae: {  	[dreg:$0x2] =	wrdreg s2  }
0xaf: {  	[dreg:$0x3] =	wrdreg s24  }
0xb0: {  	[dreg:$0x4] =	wrdreg $0x9  }
0xb1: {  	_ =	task.clear_ibuf [dreg:s7], $0x5FFFF;
	_ =	strace $0x90000046  }
0xb2: {  	s29 =	simm.s32 $0x9;
	_ =	strace $0x80000048  }
0xb3: {  	_ =	swait.ge [sflag:s29], $0x1  }
0xb4: {  	[sflag:s29] =	ssyncadd.s32 $0xFFFFFFFF  }
0xb5: {  	_ =	strace $0x90000048  }
0xb6: {  	_ =	sfence  }
0xb7: {  	s30 =	sld [smem:$0x0];
	_ =	sdelay $0x2  }
0xb8: {  	s31 =	sshll.u32 s1, $0xD;
	s1 =	sshrl.u32 s1, $0x2  }
0xb9: {  	s3 =	sand.u32 $0x4000, s31;
	s1 =	sadd.s32 s1, s30  }
0xba: {  	s0 =	sor.u32 s3, s0;
	s1 =	sshll.u32 s1, $0x11  }
0xbb: {  	s0 =	sor.u32 s1, s0  }
0xbc: {  	s0 =	sadd.s32 $0x8F2B, s0  }
0xbd: {  	[sflag:s0] =	ssyncadd.remote.s32 $0x1  }
0xbe: {  	_ =	sfence.sel $0xFFFF  }
0xbf: {  	[dreg:$0x0] =	wrdreg $0xFFFFFFFF;
	(pc) =	sbr.abs _section_cstart, $3  }
0xc0: {  	[dreg:$0x1] =	wrdreg $0xFFFFFFFF  }
0xc1: {  	_ =	task.clear_ibuf [dreg:s7], $0x2FFFF;
	_ =	strace $0x9FFFFFFF  }
0xc2: {  	(tm) =	ssettm $0x7FFFFFFF  }
0xc3: {  	_ =	shalt  }
tec
execute0_lowered:
.L_overlay_start_1:
0x0: {  	(tag) =	ssettag $0x1  }
0x1: {  	v0 =	vimm.s32 $0xEFCDAB89  }
0x2: {  	v1 =	vimm.s32 $0x67452301;
	v2 =	vimm.s32 $0xDCFE98BA;
	v3 =	vimm.s32 $0x54761032  }
0x3: {  	s4 =	rddreg [dreg:$0x0];
	v4 =	vimm.s32 $0xBA98FEDC;
	v5 =	vimm.s32 $0x32107654;
	v6 =	vimm.s32 $0xFEDCBA98  }
0x4: {  	s5 =	rddreg [dreg:$0x1];
	v7 =	vimm.s32 $0x76543210;
	v0 =	vunpack.c.l.s4.s8 v0;
	v1 =	vunpack.c.l.s4.s8 v1  }
0x5: {  	s0 =	rddreg [dreg:$0x2];
	s1 =	simm.s32 $0x0;
	s3 =	srdreg.scid;
	v2 =	vunpack.c.l.s4.s8 v2;
	v3 =	vunpack.c.l.s4.s8 v3;
	v4 =	vunpack.c.l.s4.s8 v4  }
0x6: {  	s2 =	stileid.u32;
	s10 =	simm.s32 $0x0;
	s6 =	sand.u32 $0x1, s3;
	v5 =	vunpack.c.l.s4.s8 v5;
	v6 =	vunpack.c.l.s4.s8 v6;
	v7 =	vunpack.c.l.s4.s8 v7  }
0x7: {  	[smem:$0x7FF] =	sst s1;
	s7 =	sshll.u32 s2, $0xA;
	s8 =	sshll.u32 s6, $0x9;
	v0 =	vunpack.c.0.s8.s32 v0;
	v1 =	vunpack.c.0.s8.s32 v1;
	v2 =	vunpack.c.0.s8.s32 v2  }
0x8: {  	s3 =	sadd.s32 $0x400, s5;
	s6 =	ssub.s32 $0x2, s6;
	v3 =	vunpack.c.0.s8.s32 v3;
	s7 =	sor.u32 s8, s7;
	v4 =	vunpack.c.0.s8.s32 v4;
	v5 =	vunpack.c.0.s8.s32 v5  }
0x9: {  	_ =	strace $0x80000047;
	s9 =	sshrl.u32 s6, $0x1;
	s8 =	sshll.u32 s7, $0x4;
	v0 =	vcombine.low v1, v0;
	v1 =	vunpack.c.0.s8.s32 v6  }
0xa: {  	s7 =	sshrl.u32 s7, $0x3;
	s6 =	ssub.s32 s6, s9;
	s9 =	simm.s32 $0x200;
	v2 =	vcombine.low v3, v2;
	v3 =	vcombine.low v5, v4;
	v4 =	vunpack.c.0.s8.s32 v7  }
0xb: {  	s5 =	sadd.s32 s8, s5;
	s4 =	sadd.s32 s4, s7;
	s6 =	smax.u32 s6, $0x1;
	v0 =	vand.u32 $0xF, v0;
	v5 =	vand.u32 $0xF, v1  }
0xc: {  	s7 =	simm.s32 $0x2;
	s8 =	simm.s32 $0x1;
	s5 =	sadd.s32 $0xF42800, s5;
	v1 =	vand.u32 $0xF, v2;
	v2 =	vand.u32 $0xF, v3;
	v3 =	vcombine.low v5, v4  }
.LBB2_1:
0xd: {  	[tilespmem:s1], [sflag:$0x2] =	stream.linear.gather [hbm4b:s4+s1], $0x200, $0x38;
	[tilespmem:$0x10200] =	vst v63  }
0xe: {  	_ =	swait.ge [sflag:s7], $0x200  }
0xf: {  	[sflag:s7] =	ssyncset.done $0x0  }
0x10: {  	s11 =	simm.s32 $0x10;
	[sflag:s7] =	ssyncadd.s32 $0xFFFFFE00  }
0x11: {  	v4 =	vld [tilespmem:s11+$0xFFFFFFF0];
	_ =	sdelay $0x4  }
0x12: {  	v4 =	vshll.u32 v4, $0x4  }
0x13: {  	(v2sf) =	vpush v4, $0x0  }
0x14: {  	(v2sf) =	vpush v4, $0x1  }
0x15: {  	(v2sf) =	vpush v4, $0x2;
	_ =	sdelay $0x1  }
0x16: {  	(v2sf) =	vpush v4, $0x3;
	_ =	sdelay $0x1  }
0x17: {  	(v2sf) =	vpush v4, $0x4;
	_ =	sdelay $0x1  }
0x18: {  	(v2sf) =	vpush v4, $0x5;
	_ =	sdelay $0x1  }
0x19: {  	(v2sf) =	vpush v4, $0x6  }
0x1a: {  	s13 =	simm.s32 $0x800;
	s12 =	simm.s32 $0x880  }
0x1b: {  	s16 =	simm.s32 $0x680;
	s15 =	simm.s32 $0x700;
	s14 =	simm.s32 $0x780;
	(v2sf) =	vpush v4, $0x7  }
0x1c: {  	s17 =	simm.s32 $0x500;
	s18 =	simm.s32 $0x580;
	s19 =	simm.s32 $0x600  }
0x1d: {  	s20 =	simm.s32 $0x380;
	s21 =	simm.s32 $0x400;
	s22 =	simm.s32 $0x480;
	(v2sf) =	vpush v4, $0x8  }
0x1e: {  	s23 =	simm.s32 $0x280;
	s24 =	simm.s32 $0x300;
	s25 =	spop (v2sf)  }
0x1f: {  	s26 =	simm.s32 $0x200;
	s25 =	sand.u32 $0x1FFFFFF0, s25;
	s28 =	spop (v2sf);
	(v2sf) =	vpush v4, $0x9  }
0x20: {  	s25 =	sadd.s32 s3, s25;
	s28 =	sand.u32 $0x1FFFFFF0, s28;
	s29 =	spop (v2sf)  }
0x21: {  	(v2sf) =	vpush v4, $0xA;
	[tilespmem:s26], [sflag:$0x1] =	stream.linear.gather [hbm4b:s25+s1], $0x80, $0x38;
	[tilespmem:$0x10200] =	vst v63  }
0x22: {  	s26 =	sadd.s32 s3, s28;
	s30 =	sand.u32 $0x1FFFFFF0, s29;
	s31 =	spop (v2sf)  }
0x23: {  	(v2sf) =	vpush v4, $0xB;
	[tilespmem:s23], [sflag:$0x1] =	stream.linear.gather [hbm4b:s26+s1], $0x80, $0x38;
	[tilespmem:$0x10200] =	vst v63  }
0x24: {  	s29 =	sadd.s32 s3, s30;
	s30 =	sand.u32 $0x1FFFFFF0, s31;
	s31 =	spop (v2sf)  }
0x25: {  	(v2sf) =	vpush v4, $0xC;
	[tilespmem:s24], [sflag:$0x1] =	stream.linear.gather [hbm4b:s29+s1], $0x80, $0x38;
	[tilespmem:$0x10200] =	vst v63  }
0x26: {  	s25 =	sadd.s32 s3, s30;
	s26 =	sand.u32 $0x1FFFFFF0, s31;
	s28 =	spop (v2sf)  }
0x27: {  	(v2sf) =	vpush v4, $0xD;
	[tilespmem:s20], [sflag:$0x1] =	stream.linear.gather [hbm4b:s25+s1], $0x80, $0x38;
	[tilespmem:$0x10200] =	vst v63  }
0x28: {  	s30 =	sand.u32 $0x1FFFFFF0, s28;
	s31 =	spop (v2sf);
	s29 =	sadd.s32 s3, s26  }
0x29: {  	(v2sf) =	vpush v4, $0xE;
	[tilespmem:s21], [sflag:$0x1] =	stream.linear.gather [hbm4b:s29+s1], $0x80, $0x38;
	[tilespmem:$0x10200] =	vst v63  }
0x2a: {  	s23 =	sand.u32 $0x1FFFFFF0, s31;
	s24 =	spop (v2sf);
	s21 =	sadd.s32 s3, s30  }
0x2b: {  	(v2sf) =	vpush v4, $0xF;
	[tilespmem:s22], [sflag:$0x1] =	stream.linear.gather [hbm4b:s21+s1], $0x80, $0x38;
	[tilespmem:$0x10200] =	vst v63  }
0x2c: {  	s26 =	sand.u32 $0x1FFFFFF0, s24;
	s28 =	spop (v2sf);
	s25 =	sadd.s32 s3, s23  }
0x2d: {  	[tilespmem:s17], [sflag:$0x1] =	stream.linear.gather [hbm4b:s25+s1], $0x80, $0x38;
	[tilespmem:$0x10200] =	vst v63  }
0x2e: {  	s29 =	sadd.s32 s3, s26;
	s30 =	sand.u32 $0x1FFFFFF0, s28;
	s31 =	spop (v2sf)  }
0x2f: {  	[tilespmem:s18], [sflag:$0x1] =	stream.linear.gather [hbm4b:s29+s1], $0x80, $0x38;
	[tilespmem:$0x10200] =	vst v63  }
0x30: {  	s18 =	sadd.s32 s3, s30;
	s20 =	sand.u32 $0x1FFFFFF0, s31;
	s21 =	spop (v2sf)  }
0x31: {  	[tilespmem:s19], [sflag:$0x1] =	stream.linear.gather [hbm4b:s18+s1], $0x80, $0x38;
	[tilespmem:$0x10200] =	vst v63  }
0x32: {  	s22 =	sadd.s32 s3, s20;
	s23 =	sand.u32 $0x1FFFFFF0, s21;
	s24 =	spop (v2sf)  }
0x33: {  	[tilespmem:s16], [sflag:$0x1] =	stream.linear.gather [hbm4b:s22+s1], $0x80, $0x38;
	[tilespmem:$0x10200] =	vst v63  }
0x34: {  	s25 =	sadd.s32 s3, s23;
	s26 =	sand.u32 $0x1FFFFFF0, s24;
	s28 =	spop (v2sf)  }
0x35: {  	[tilespmem:s15], [sflag:$0x1] =	stream.linear.gather [hbm4b:s25+s1], $0x80, $0x38;
	[tilespmem:$0x10200] =	vst v63  }
0x36: {  	s29 =	sadd.s32 s3, s26;
	s30 =	sand.u32 $0x1FFFFFF0, s28;
	s31 =	spop (v2sf)  }
0x37: {  	[tilespmem:s14], [sflag:$0x1] =	stream.linear.gather [hbm4b:s29+s1], $0x80, $0x38;
	[tilespmem:$0x10200] =	vst v63  }
0x38: {  	s16 =	sand.u32 $0x1FFFFFF0, s31;
	s17 =	spop (v2sf);
	s15 =	sadd.s32 s3, s30  }
0x39: {  	[tilespmem:s13], [sflag:$0x1] =	stream.linear.gather [hbm4b:s15+s1], $0x80, $0x38;
	[tilespmem:$0x10200] =	vst v63  }
0x3a: {  	s18 =	sadd.s32 s3, s16;
	s19 =	sand.u32 $0x1FFFFFF0, s17;
	s20 =	spop (v2sf)  }
0x3b: {  	[tilespmem:s12], [sflag:$0x1] =	stream.linear.gather [hbm4b:s18+s1], $0x80, $0x38;
	[tilespmem:$0x10200] =	vst v63  }
0x3c: {  	s21 =	simm.s32 $0x900;
	s22 =	sadd.s32 s3, s19;
	s23 =	sand.u32 $0x1FFFFFF0, s20  }
0x3d: {  	[tilespmem:s21], [sflag:$0x1] =	stream.linear.gather [hbm4b:s22+s1], $0x80, $0x38;
	[tilespmem:$0x10200] =	vst v63  }
0x3e: {  	s24 =	simm.s32 $0x980;
	s25 =	sadd.s32 s3, s23  }
0x3f: {  	[tilespmem:s24], [sflag:$0x1] =	stream.linear.gather [hbm4b:s25+s1], $0x80, $0x38;
	[tilespmem:$0x10200] =	vst v63  }
0x40: {  	v4 =	vld [tilespmem:s11+$0x0];
	_ =	sdelay $0x4  }
0x41: {  	v4 =	vshll.u32 v4, $0x4  }
0x42: {  	(v2sf) =	vpush v4, $0x0  }
0x43: {  	(v2sf) =	vpush v4, $0x1  }
0x44: {  	(v2sf) =	vpush v4, $0x2;
	_ =	sdelay $0x1  }
0x45: {  	(v2sf) =	vpush v4, $0x3;
	_ =	sdelay $0x1  }
0x46: {  	(v2sf) =	vpush v4, $0x4;
	_ =	sdelay $0x1  }
0x47: {  	(v2sf) =	vpush v4, $0x5;
	_ =	sdelay $0x1  }
0x48: {  	(v2sf) =	vpush v4, $0x6  }
0x49: {  	s26 =	simm.s32 $0xA00  }
0x4a: {  	s16 =	simm.s32 $0xE00;
	s17 =	simm.s32 $0xE80;
	s19 =	simm.s32 $0xC80;
	(v2sf) =	vpush v4, $0x7  }
0x4b: {  	s20 =	simm.s32 $0xD00;
	s29 =	simm.s32 $0xA80;
	s14 =	simm.s32 $0x1180  }
0x4c: {  	s13 =	simm.s32 $0xF00;
	s15 =	simm.s32 $0xD80;
	s12 =	simm.s32 $0xF80;
	(v2sf) =	vpush v4, $0x8  }
0x4d: {  	s18 =	simm.s32 $0xC00;
	s21 =	simm.s32 $0xB00;
	s28 =	spop (v2sf)  }
0x4e: {  	s22 =	simm.s32 $0xB80;
	(v2sf) =	vpush v4, $0x9;
	s23 =	sand.u32 $0x1FFFFFF0, s28;
	s30 =	spop (v2sf)  }
0x4f: {  	(v2sf) =	vpush v4, $0xA;
	s23 =	sadd.s32 s3, s23;
	s25 =	sand.u32 $0x1FFFFFF0, s30;
	s31 =	spop (v2sf)  }
0x50: {  	[tilespmem:s26], [sflag:$0x1] =	stream.linear.gather [hbm4b:s23+s1], $0x80, $0x38;
	[tilespmem:$0x10200] =	vst v63  }
0x51: {  	(v2sf) =	vpush v4, $0xB;
	s25 =	sadd.s32 s3, s25;
	s26 =	sand.u32 $0x1FFFFFF0, s31;
	s28 =	spop (v2sf)  }
0x52: {  	[tilespmem:s29], [sflag:$0x1] =	stream.linear.gather [hbm4b:s25+s1], $0x80, $0x38;
	[tilespmem:$0x10200] =	vst v63  }
0x53: {  	s30 =	sand.u32 $0x1FFFFFF0, s28;
	s31 =	spop (v2sf);
	s29 =	sadd.s32 s3, s26  }
0x54: {  	[tilespmem:s21], [sflag:$0x1] =	stream.linear.gather [hbm4b:s29+s1], $0x80, $0x38;
	[tilespmem:$0x10200] =	vst v63  }
0x55: {  	(v2sf) =	vpush v4, $0xC;
	s23 =	sand.u32 $0x1FFFFFF0, s31;
	s24 =	spop (v2sf);
	s21 =	sadd.s32 s3, s30  }
0x56: {  	(v2sf) =	vpush v4, $0xD;
	[tilespmem:s22], [sflag:$0x1] =	stream.linear.gather [hbm4b:s21+s1], $0x80, $0x38;
	[tilespmem:$0x10200] =	vst v63  }
0x57: {  	s25 =	sadd.s32 s3, s23;
	s26 =	sand.u32 $0x1FFFFFF0, s24;
	s28 =	spop (v2sf)  }
0x58: {  	(v2sf) =	vpush v4, $0xE;
	[tilespmem:s18], [sflag:$0x1] =	stream.linear.gather [hbm4b:s25+s1], $0x80, $0x38;
	[tilespmem:$0x10200] =	vst v63  }
0x59: {  	s29 =	sadd.s32 s3, s26;
	s30 =	sand.u32 $0x1FFFFFF0, s28;
	s31 =	spop (v2sf)  }
0x5a: {  	(v2sf) =	vpush v4, $0xF;
	[tilespmem:s19], [sflag:$0x1] =	stream.linear.gather [hbm4b:s29+s1], $0x80, $0x38;
	[tilespmem:$0x10200] =	vst v63  }
0x5b: {  	s11 =	simm.s32 $0x1000;
	s21 =	spop (v2sf);
	s18 =	sadd.s32 s3, s30  }
0x5c: {  	[tilespmem:s20], [sflag:$0x1] =	stream.linear.gather [hbm4b:s18+s1], $0x80, $0x38;
	[tilespmem:$0x10200] =	vst v63  }
0x5d: {  	s23 =	sand.u32 $0x1FFFFFF0, s21;
	s19 =	sand.u32 $0x1FFFFFF0, s31;
	s24 =	spop (v2sf)  }
0x5e: {  	s25 =	sadd.s32 s3, s23;
	s22 =	sadd.s32 s3, s19;
	s28 =	spop (v2sf)  }
0x5f: {  	[tilespmem:s15], [sflag:$0x1] =	stream.linear.gather [hbm4b:s22+s1], $0x80, $0x38;
	[tilespmem:$0x10200] =	vst v63  }
0x60: {  	s26 =	sand.u32 $0x1FFFFFF0, s24;
	s24 =	simm.s32 $0x1080;
	s31 =	spop (v2sf)  }
0x61: {  	[tilespmem:s16], [sflag:$0x1] =	stream.linear.gather [hbm4b:s25+s1], $0x80, $0x38;
	[tilespmem:$0x10200] =	vst v63  }
0x62: {  	s29 =	sadd.s32 s3, s26;
	s30 =	sand.u32 $0x1FFFFFF0, s28;
	s16 =	sand.u32 $0x1FFFFFF0, s31  }
0x63: {  	[tilespmem:s17], [sflag:$0x1] =	stream.linear.gather [hbm4b:s29+s1], $0x80, $0x38;
	[tilespmem:$0x10200] =	vst v63  }
0x64: {  	s15 =	sadd.s32 s3, s30;
	s18 =	sadd.s32 s3, s16;
	s17 =	spop (v2sf)  }
0x65: {  	s29 =	simm.s32 $0x1100;
	s19 =	sand.u32 $0x1FFFFFF0, s17;
	s20 =	spop (v2sf)  }
0x66: {  	[tilespmem:s13], [sflag:$0x1] =	stream.linear.gather [hbm4b:s15+s1], $0x80, $0x38;
	[tilespmem:$0x10200] =	vst v63  }
0x67: {  	s21 =	sadd.s32 s3, s19;
	s22 =	sand.u32 $0x1FFFFFF0, s20;
	s23 =	spop (v2sf)  }
0x68: {  	[tilespmem:s12], [sflag:$0x1] =	stream.linear.gather [hbm4b:s18+s1], $0x80, $0x38;
	[tilespmem:$0x10200] =	vst v63  }
0x69: {  	s13 =	simm.s32 $0x1A00;
	s26 =	sand.u32 $0x1FFFFFF0, s23;
	s28 =	spop (v2sf)  }
0x6a: {  	[tilespmem:s11], [sflag:$0x1] =	stream.linear.gather [hbm4b:s21+s1], $0x80, $0x38;
	[tilespmem:$0x10200] =	vst v63  }
0x6b: {  	s25 =	sadd.s32 s3, s22;
	s30 =	sadd.s32 s3, s26;
	s31 =	sand.u32 $0x1FFFFFF0, s28  }
0x6c: {  	[tilespmem:s24], [sflag:$0x1] =	stream.linear.gather [hbm4b:s25+s1], $0x80, $0x38;
	[tilespmem:$0x10200] =	vst v63  }
0x6d: {  	s12 =	simm.s32 $0x30;
	s15 =	sadd.s32 s3, s31;
	s11 =	simm.s32 $0x0  }
0x6e: {  	[tilespmem:s29], [sflag:$0x1] =	stream.linear.gather [hbm4b:s30+s1], $0x80, $0x38;
	[tilespmem:$0x10200] =	vst v63  }
.LBB2_2:
0x6f: {  	[tilespmem:s14], [sflag:$0x1] =	stream.linear.gather [hbm4b:s15+s1], $0x80, $0x38;
	[tilespmem:$0x10200] =	vst v63  }
0x70: {  	s11 =	sadd.s32 $0x2, s11  }
0x71: {  	p0 =	slt.u32 s11, $0x1E;
	v4 =	vld [tilespmem:s12+$0xFFFFFFF0];
	_ =	sdelay $0x4  }
0x72: {  	v4 =	vshll.u32 v4, $0x4  }
0x73: {  	(v2sf) =	vpush v4, $0x0  }
0x74: {  	(v2sf) =	vpush v4, $0x1  }
0x75: {  	(v2sf) =	vpush v4, $0x2;
	_ =	sdelay $0x1  }
0x76: {  	(v2sf) =	vpush v4, $0x3;
	_ =	sdelay $0x1  }
0x77: {  	(v2sf) =	vpush v4, $0x4;
	_ =	sdelay $0x1  }
0x78: {  	(v2sf) =	vpush v4, $0x5;
	_ =	sdelay $0x1  }
0x79: {  	(v2sf) =	vpush v4, $0x6  }
0x7a: {  	s15 =	sadd.s32 $0xFFFFFE00, s13;
	s14 =	sadd.s32 $0xFFFFFE80, s13  }
0x7b: {  	s18 =	sadd.s32 $0xFFFFFC80, s13;
	s17 =	sadd.s32 $0xFFFFFD00, s13;
	s16 =	sadd.s32 $0xFFFFFD80, s13;
	(v2sf) =	vpush v4, $0x7  }
0x7c: {  	s21 =	sadd.s32 $0xFFFFFB00, s13;
	s20 =	sadd.s32 $0xFFFFFB80, s13;
	s19 =	sadd.s32 $0xFFFFFC00, s13  }
0x7d: {  	s22 =	sadd.s32 $0xFFFFF980, s13;
	s23 =	sadd.s32 $0xFFFFFA00, s13;
	s24 =	sadd.s32 $0xFFFFFA80, s13;
	(v2sf) =	vpush v4, $0x8  }
0x7e: {  	s25 =	sadd.s32 $0xFFFFF880, s13;
	s26 =	sadd.s32 $0xFFFFF900, s13;
	s28 =	spop (v2sf)  }
0x7f: {  	s29 =	sadd.s32 $0xFFFFF800, s13;
	s28 =	sand.u32 $0x1FFFFFF0, s28;
	s30 =	spop (v2sf);
	(v2sf) =	vpush v4, $0x9  }
0x80: {  	s28 =	sadd.s32 s3, s28;
	s30 =	sand.u32 $0x1FFFFFF0, s30;
	s31 =	spop (v2sf)  }
0x81: {  	[tilespmem:s29], [sflag:$0x1] =	stream.linear.gather [hbm4b:s28+s1], $0x80, $0x38;
	(v2sf) =	vpush v4, $0xA;
	[tilespmem:$0x10200] =	vst v63  }
0x82: {  	s28 =	sadd.s32 s3, s30;
	s29 =	sand.u32 $0x1FFFFFF0, s31;
	s30 =	spop (v2sf)  }
0x83: {  	[tilespmem:s25], [sflag:$0x1] =	stream.linear.gather [hbm4b:s28+s1], $0x80, $0x38;
	(v2sf) =	vpush v4, $0xB;
	[tilespmem:$0x10200] =	vst v63  }
0x84: {  	s25 =	sadd.s32 s3, s29;
	s28 =	sand.u32 $0x1FFFFFF0, s30;
	s29 =	spop (v2sf)  }
0x85: {  	[tilespmem:s26], [sflag:$0x1] =	stream.linear.gather [hbm4b:s25+s1], $0x80, $0x38;
	(v2sf) =	vpush v4, $0xC;
	[tilespmem:$0x10200] =	vst v63  }
0x86: {  	s25 =	sadd.s32 s3, s28;
	s26 =	sand.u32 $0x1FFFFFF0, s29;
	s28 =	spop (v2sf)  }
0x87: {  	[tilespmem:s22], [sflag:$0x1] =	stream.linear.gather [hbm4b:s25+s1], $0x80, $0x38;
	(v2sf) =	vpush v4, $0xD;
	[tilespmem:$0x10200] =	vst v63  }
0x88: {  	s22 =	sadd.s32 s3, s26;
	s25 =	sand.u32 $0x1FFFFFF0, s28;
	s26 =	spop (v2sf)  }
0x89: {  	[tilespmem:s23], [sflag:$0x1] =	stream.linear.gather [hbm4b:s22+s1], $0x80, $0x38;
	(v2sf) =	vpush v4, $0xE;
	[tilespmem:$0x10200] =	vst v63  }
0x8a: {  	s22 =	sadd.s32 s3, s25;
	s23 =	sand.u32 $0x1FFFFFF0, s26;
	s25 =	spop (v2sf)  }
0x8b: {  	[tilespmem:s24], [sflag:$0x1] =	stream.linear.gather [hbm4b:s22+s1], $0x80, $0x38;
	(v2sf) =	vpush v4, $0xF;
	[tilespmem:$0x10200] =	vst v63  }
0x8c: {  	s22 =	sadd.s32 s3, s23;
	s23 =	sand.u32 $0x1FFFFFF0, s25;
	s24 =	spop (v2sf)  }
0x8d: {  	[tilespmem:s21], [sflag:$0x1] =	stream.linear.gather [hbm4b:s22+s1], $0x80, $0x38;
	[tilespmem:$0x10200] =	vst v63  }
0x8e: {  	s21 =	sadd.s32 s3, s23;
	s22 =	sand.u32 $0x1FFFFFF0, s24;
	s23 =	spop (v2sf)  }
0x8f: {  	[tilespmem:s20], [sflag:$0x1] =	stream.linear.gather [hbm4b:s21+s1], $0x80, $0x38;
	[tilespmem:$0x10200] =	vst v63  }
0x90: {  	s20 =	sadd.s32 s3, s22;
	s21 =	sand.u32 $0x1FFFFFF0, s23;
	s22 =	spop (v2sf)  }
0x91: {  	[tilespmem:s19], [sflag:$0x1] =	stream.linear.gather [hbm4b:s20+s1], $0x80, $0x38;
	[tilespmem:$0x10200] =	vst v63  }
0x92: {  	s19 =	sadd.s32 s3, s21;
	s20 =	sand.u32 $0x1FFFFFF0, s22;
	s21 =	spop (v2sf)  }
0x93: {  	[tilespmem:s18], [sflag:$0x1] =	stream.linear.gather [hbm4b:s19+s1], $0x80, $0x38;
	[tilespmem:$0x10200] =	vst v63  }
0x94: {  	s18 =	sadd.s32 s3, s20;
	s19 =	sand.u32 $0x1FFFFFF0, s21;
	s20 =	spop (v2sf)  }
0x95: {  	[tilespmem:s17], [sflag:$0x1] =	stream.linear.gather [hbm4b:s18+s1], $0x80, $0x38;
	[tilespmem:$0x10200] =	vst v63  }
0x96: {  	s17 =	sadd.s32 s3, s19;
	s18 =	sand.u32 $0x1FFFFFF0, s20;
	s19 =	spop (v2sf)  }
0x97: {  	[tilespmem:s16], [sflag:$0x1] =	stream.linear.gather [hbm4b:s17+s1], $0x80, $0x38;
	[tilespmem:$0x10200] =	vst v63  }
0x98: {  	s16 =	sadd.s32 s3, s18;
	s17 =	sand.u32 $0x1FFFFFF0, s19;
	s18 =	spop (v2sf)  }
0x99: {  	[tilespmem:s15], [sflag:$0x1] =	stream.linear.gather [hbm4b:s16+s1], $0x80, $0x38;
	[tilespmem:$0x10200] =	vst v63  }
0x9a: {  	s15 =	sadd.s32 s3, s17;
	s16 =	sand.u32 $0x1FFFFFF0, s18;
	s17 =	spop (v2sf)  }
0x9b: {  	[tilespmem:s14], [sflag:$0x1] =	stream.linear.gather [hbm4b:s15+s1], $0x80, $0x38;
	[tilespmem:$0x10200] =	vst v63  }
0x9c: {  	s14 =	sadd.s32 $0xFFFFFF00, s13;
	s15 =	sadd.s32 s3, s16;
	s16 =	sand.u32 $0x1FFFFFF0, s17  }
0x9d: {  	[tilespmem:s14], [sflag:$0x1] =	stream.linear.gather [hbm4b:s15+s1], $0x80, $0x38;
	[tilespmem:$0x10200] =	vst v63  }
0x9e: {  	s14 =	sadd.s32 $0xFFFFFF80, s13;
	s15 =	sadd.s32 s3, s16  }
0x9f: {  	[tilespmem:s14], [sflag:$0x1] =	stream.linear.gather [hbm4b:s15+s1], $0x80, $0x38;
	[tilespmem:$0x10200] =	vst v63  }
0xa0: {  	v4 =	vld [tilespmem:s12+$0x0];
	_ =	sdelay $0x4  }
0xa1: {  	v4 =	vshll.u32 v4, $0x4  }
0xa2: {  	(v2sf) =	vpush v4, $0x0  }
0xa3: {  	(v2sf) =	vpush v4, $0x1  }
0xa4: {  	(v2sf) =	vpush v4, $0x2;
	_ =	sdelay $0x1  }
0xa5: {  	(v2sf) =	vpush v4, $0x3;
	_ =	sdelay $0x1  }
0xa6: {  	(v2sf) =	vpush v4, $0x4;
	_ =	sdelay $0x1  }
0xa7: {  	(v2sf) =	vpush v4, $0x5;
	_ =	sdelay $0x1  }
0xa8: {  	(v2sf) =	vpush v4, $0x6  }
0xa9: {  	s14 =	sadd.s32 $0x680, s13;
	s12 =	sadd.s32 $0x20, s12  }
0xaa: {  	s17 =	sadd.s32 $0x500, s13;
	s16 =	sadd.s32 $0x580, s13;
	s15 =	sadd.s32 $0x600, s13;
	(v2sf) =	vpush v4, $0x7  }
0xab: {  	s20 =	sadd.s32 $0x380, s13;
	s19 =	sadd.s32 $0x400, s13;
	s18 =	sadd.s32 $0x480, s13  }
0xac: {  	s23 =	sadd.s32 $0x300, s13;
	s22 =	sadd.s32 $0x280, s13;
	s21 =	sadd.s32 $0x200, s13;
	(v2sf) =	vpush v4, $0x8  }
0xad: {  	s25 =	sadd.s32 $0x180, s13;
	s24 =	sadd.s32 $0x100, s13;
	s26 =	spop (v2sf)  }
0xae: {  	s28 =	sadd.s32 $0x80, s13;
	s26 =	sand.u32 $0x1FFFFFF0, s26;
	s29 =	spop (v2sf);
	(v2sf) =	vpush v4, $0x9  }
0xaf: {  	s26 =	sadd.s32 s3, s26;
	s29 =	sand.u32 $0x1FFFFFF0, s29;
	s30 =	spop (v2sf)  }
0xb0: {  	[tilespmem:s13], [sflag:$0x1] =	stream.linear.gather [hbm4b:s26+s1], $0x80, $0x38;
	(v2sf) =	vpush v4, $0xA;
	[tilespmem:$0x10200] =	vst v63  }
0xb1: {  	s26 =	sadd.s32 s3, s29;
	s29 =	sand.u32 $0x1FFFFFF0, s30;
	s30 =	spop (v2sf)  }
0xb2: {  	[tilespmem:s28], [sflag:$0x1] =	stream.linear.gather [hbm4b:s26+s1], $0x80, $0x38;
	(v2sf) =	vpush v4, $0xB;
	[tilespmem:$0x10200] =	vst v63  }
0xb3: {  	s26 =	sadd.s32 s3, s29;
	s28 =	sand.u32 $0x1FFFFFF0, s30;
	s29 =	spop (v2sf)  }
0xb4: {  	[tilespmem:s24], [sflag:$0x1] =	stream.linear.gather [hbm4b:s26+s1], $0x80, $0x38;
	(v2sf) =	vpush v4, $0xC;
	[tilespmem:$0x10200] =	vst v63  }
0xb5: {  	s24 =	sadd.s32 s3, s28;
	s26 =	sand.u32 $0x1FFFFFF0, s29;
	s28 =	spop (v2sf)  }
0xb6: {  	[tilespmem:s25], [sflag:$0x1] =	stream.linear.gather [hbm4b:s24+s1], $0x80, $0x38;
	(v2sf) =	vpush v4, $0xD;
	[tilespmem:$0x10200] =	vst v63  }
0xb7: {  	s24 =	sadd.s32 s3, s26;
	s25 =	sand.u32 $0x1FFFFFF0, s28;
	s26 =	spop (v2sf)  }
0xb8: {  	[tilespmem:s21], [sflag:$0x1] =	stream.linear.gather [hbm4b:s24+s1], $0x80, $0x38;
	(v2sf) =	vpush v4, $0xE;
	[tilespmem:$0x10200] =	vst v63  }
0xb9: {  	s21 =	sadd.s32 s3, s25;
	s24 =	sand.u32 $0x1FFFFFF0, s26;
	s25 =	spop (v2sf)  }
0xba: {  	[tilespmem:s22], [sflag:$0x1] =	stream.linear.gather [hbm4b:s21+s1], $0x80, $0x38;
	(v2sf) =	vpush v4, $0xF;
	[tilespmem:$0x10200] =	vst v63  }
0xbb: {  	s21 =	sadd.s32 s3, s24;
	s22 =	sand.u32 $0x1FFFFFF0, s25;
	s24 =	spop (v2sf)  }
0xbc: {  	[tilespmem:s23], [sflag:$0x1] =	stream.linear.gather [hbm4b:s21+s1], $0x80, $0x38;
	[tilespmem:$0x10200] =	vst v63  }
0xbd: {  	s21 =	sadd.s32 s3, s22;
	s22 =	sand.u32 $0x1FFFFFF0, s24;
	s23 =	spop (v2sf)  }
0xbe: {  	[tilespmem:s20], [sflag:$0x1] =	stream.linear.gather [hbm4b:s21+s1], $0x80, $0x38;
	[tilespmem:$0x10200] =	vst v63  }
0xbf: {  	s20 =	sadd.s32 s3, s22;
	s21 =	sand.u32 $0x1FFFFFF0, s23;
	s22 =	spop (v2sf)  }
0xc0: {  	[tilespmem:s19], [sflag:$0x1] =	stream.linear.gather [hbm4b:s20+s1], $0x80, $0x38;
	[tilespmem:$0x10200] =	vst v63  }
0xc1: {  	s19 =	sadd.s32 s3, s21;
	s20 =	sand.u32 $0x1FFFFFF0, s22;
	s21 =	spop (v2sf)  }
0xc2: {  	[tilespmem:s18], [sflag:$0x1] =	stream.linear.gather [hbm4b:s19+s1], $0x80, $0x38;
	[tilespmem:$0x10200] =	vst v63  }
0xc3: {  	s18 =	sadd.s32 s3, s20;
	s19 =	sand.u32 $0x1FFFFFF0, s21;
	s20 =	spop (v2sf)  }
0xc4: {  	[tilespmem:s17], [sflag:$0x1] =	stream.linear.gather [hbm4b:s18+s1], $0x80, $0x38;
	[tilespmem:$0x10200] =	vst v63  }
0xc5: {  	s17 =	sadd.s32 s3, s19;
	s18 =	sand.u32 $0x1FFFFFF0, s20;
	s19 =	spop (v2sf)  }
0xc6: {  	[tilespmem:s16], [sflag:$0x1] =	stream.linear.gather [hbm4b:s17+s1], $0x80, $0x38;
	[tilespmem:$0x10200] =	vst v63  }
0xc7: {  	s16 =	sadd.s32 s3, s18;
	s17 =	sand.u32 $0x1FFFFFF0, s19;
	s18 =	spop (v2sf)  }
0xc8: {  	[tilespmem:s15], [sflag:$0x1] =	stream.linear.gather [hbm4b:s16+s1], $0x80, $0x38;
	[tilespmem:$0x10200] =	vst v63  }
0xc9: {  	s15 =	sadd.s32 s3, s17  }
.Ltmp0:
0xca: {  	s16 =	sand.u32 $0x1FFFFFF0, s18;
	s17 =	spop (v2sf);
	(pc) =	sbr.rel @p0 .LBB2_2-.Ltmp0, $4  }
0xcb: {  	[tilespmem:s14], [sflag:$0x1] =	stream.linear.gather [hbm4b:s15+s1], $0x80, $0x38;
	[tilespmem:$0x10200] =	vst v63  }
0xcc: {  	s14 =	sadd.s32 $0x700, s13;
	s15 =	sadd.s32 s3, s16;
	s16 =	sand.u32 $0x1FFFFFF0, s17  }
0xcd: {  	[tilespmem:s14], [sflag:$0x1] =	stream.linear.gather [hbm4b:s15+s1], $0x80, $0x38;
	[tilespmem:$0x10200] =	vst v63  }
0xce: {  	s14 =	sadd.s32 $0x780, s13;
	s15 =	sadd.s32 s3, s16;
	s13 =	sadd.s32 $0x1000, s13  }
0xcf: {  	[tilespmem:s14], [sflag:$0x1] =	stream.linear.gather [hbm4b:s15+s1], $0x80, $0x38;
	[tilespmem:$0x10200] =	vst v63  }
0xd0: {  	_ =	swait.ge [sflag:s8], $0x80  }
0xd1: {  	[sflag:s8] =	ssyncset.done $0x0  }
0xd2: {  	[sflag:s8] =	ssyncadd.s32 $0xFFFFFF80  }
0xd3: {  	_ =	swait.ge [sflag:s8], $0x80  }
0xd4: {  	[sflag:s8] =	ssyncset.done $0x0  }
0xd5: {  	[sflag:s8] =	ssyncadd.s32 $0xFFFFFF80  }
0xd6: {  	_ =	swait.ge [sflag:s8], $0x80  }
0xd7: {  	[sflag:s8] =	ssyncset.done $0x0  }
0xd8: {  	[sflag:s8] =	ssyncadd.s32 $0xFFFFFF80  }
0xd9: {  	_ =	swait.ge [sflag:s8], $0x80  }
0xda: {  	[sflag:s8] =	ssyncset.done $0x0  }
0xdb: {  	[sflag:s8] =	ssyncadd.s32 $0xFFFFFF80  }
0xdc: {  	_ =	swait.ge [sflag:s8], $0x80  }
0xdd: {  	[sflag:s8] =	ssyncset.done $0x0  }
0xde: {  	[sflag:s8] =	ssyncadd.s32 $0xFFFFFF80  }
0xdf: {  	_ =	swait.ge [sflag:s8], $0x80  }
0xe0: {  	[sflag:s8] =	ssyncset.done $0x0  }
0xe1: {  	[sflag:s8] =	ssyncadd.s32 $0xFFFFFF80  }
0xe2: {  	_ =	swait.ge [sflag:s8], $0x80  }
0xe3: {  	[sflag:s8] =	ssyncset.done $0x0  }
0xe4: {  	[sflag:s8] =	ssyncadd.s32 $0xFFFFFF80  }
0xe5: {  	_ =	swait.ge [sflag:s8], $0x80  }
0xe6: {  	s12 =	simm.s32 $0x0;
	[sflag:s8] =	ssyncset.done $0x0  }
.LBB2_4:
0xe7: {  	s12 =	sadd.s32 $0x8, s12;
	[sflag:s8] =	ssyncadd.s32 $0xFFFFFF80;
	s11 =	simm.s32 $0x400  }
0xe8: {  	_ =	swait.ge [sflag:s8], $0x80;
	p0 =	slt.u32 s12, $0x1F8  }
0xe9: {  	[sflag:s8] =	ssyncset.done $0x0  }
0xea: {  	[sflag:s8] =	ssyncadd.s32 $0xFFFFFF80  }
0xeb: {  	_ =	swait.ge [sflag:s8], $0x80  }
0xec: {  	[sflag:s8] =	ssyncset.done $0x0  }
0xed: {  	[sflag:s8] =	ssyncadd.s32 $0xFFFFFF80  }
0xee: {  	_ =	swait.ge [sflag:s8], $0x80  }
0xef: {  	[sflag:s8] =	ssyncset.done $0x0  }
0xf0: {  	[sflag:s8] =	ssyncadd.s32 $0xFFFFFF80  }
0xf1: {  	_ =	swait.ge [sflag:s8], $0x80  }
0xf2: {  	[sflag:s8] =	ssyncset.done $0x0  }
0xf3: {  	[sflag:s8] =	ssyncadd.s32 $0xFFFFFF80  }
0xf4: {  	_ =	swait.ge [sflag:s8], $0x80  }
0xf5: {  	[sflag:s8] =	ssyncset.done $0x0  }
0xf6: {  	[sflag:s8] =	ssyncadd.s32 $0xFFFFFF80  }
0xf7: {  	_ =	swait.ge [sflag:s8], $0x80  }
0xf8: {  	[sflag:s8] =	ssyncset.done $0x0  }
0xf9: {  	[sflag:s8] =	ssyncadd.s32 $0xFFFFFF80  }
.Ltmp1:
0xfa: {  	_ =	swait.ge [sflag:s8], $0x80;
	(pc) =	sbr.rel @p0 .LBB2_4-.Ltmp1, $4  }
0xfb: {  	[sflag:s8] =	ssyncset.done $0x0  }
0xfc: {  	[sflag:s8] =	ssyncadd.s32 $0xFFFFFF80  }
0xfd: {  	_ =	swait.ge [sflag:s8], $0x80  }
0xfe: {  	[sflag:s8] =	ssyncset.done $0x0  }
0xff: {  	[sflag:s8] =	ssyncadd.s32 $0xFFFFFF80  }
0x100: {  	v4 =	vld [tilespmem:s11+$0xFFFFFF80]  }
0x101: {  	v5 =	vld [tilespmem:s11+$0xFFFFFE80];
	_ =	sdelay $0x3  }
0x102: {  	v6 =	vperm.xlane v4, v0  }
0x103: {  	v7 =	vperm.xlane v5, v0  }
0x104: {  	v6 =	vmax.f32 v4, v6  }
0x105: {  	v7 =	vmax.f32 v5, v7;
	v8 =	vperm.xlane v6, v1  }
0x106: {  	v10 =	vld [tilespmem:s11+$0xFFFFFE00];
	v9 =	vperm.xlane v7, v1  }
0x107: {  	v6 =	vmax.f32 v6, v8  }
0x108: {  	v8 =	vld [tilespmem:s11+$0x80];
	v7 =	vmax.f32 v7, v9;
	v11 =	vperm.xlane v6, v2  }
0x109: {  	v12 =	vld [tilespmem:s11+$0x100];
	v9 =	vperm.xlane v7, v2  }
0x10a: {  	v6 =	vmax.f32 v6, v11  }
0x10b: {  	v7 =	vmax.f32 v7, v9;
	v9 =	vperm.xlane v10, v0;
	v11 =	vperm.xlane v6, v3  }
0x10c: {  	v13 =	vperm.xlane v7, v3  }
0x10d: {  	v14 =	vperm.xlane v8, v0;
	v9 =	vmax.f32 v10, v9;
	v6 =	vmax.f32 v6, v11  }
0x10e: {  	v7 =	vmax.f32 v7, v13;
	v11 =	vperm.xlane v12, v0;
	v13 =	vperm.xlane v9, v1  }
0x10f: {  	v4 =	vsub.f32 v4, v6;
	v5 =	vsub.f32 v5, v7;
	v6 =	vmax.f32 v8, v14;
	v7 =	vld [tilespmem:s11+$0x180]  }
0x110: {  	v14 =	vld [tilespmem:s11+$0xFFFFFF00];
	v15 =	vperm.xlane v6, v1  }
0x111: {  	v11 =	vmax.f32 v12, v11;
	v9 =	vmax.f32 v9, v13;
	v4 =	vmul.f32 $1.442695020e+00, v4  }
0x112: {  	v16 =	vperm.xlane v11, v1;
	v5 =	vmul.f32 $1.442695020e+00, v5;
	v6 =	vmax.f32 v6, v15  }
0x113: {  	v13 =	vperm.xlane v9, v2;
	v15 =	vperm.xlane v6, v2  }
0x114: {  	v11 =	vmax.f32 v11, v16;
	(erf) = vpow2.f32 v4;
	v16 =	vperm.xlane v7, v0  }
0x115: {  	v18 =	vld [tilespmem:s11+$0x0];
	v9 =	vmax.f32 v9, v13;
	v17 =	vperm.xlane v11, v2;
	v4 =	vperm.xlane v14, v0  }
0x116: {  	(erf) = vpow2.f32 v5;
	v5 =	vperm.xlane v9, v3;
	v6 =	vmax.f32 v6, v15  }
0x117: {  	v11 =	vmax.f32 v11, v17;
	v13 =	vperm.xlane v6, v3  }
0x118: {  	v15 =	vmax.f32 v7, v16;
	v4 =	vmax.f32 v14, v4;
	v5 =	vmax.f32 v9, v5  }
0x119: {  	v5 =	vsub.f32 v10, v5;
	v9 =	vperm.xlane v4, v1;
	v6 =	vmax.f32 v6, v13  }
0x11a: {  	v10 =	vperm.xlane v18, v0;
	v13 =	vperm.xlane v15, v1;
	v6 =	vsub.f32 v8, v6  }
0x11b: {  	v8 =	vperm.xlane v11, v3;
	v5 =	vmul.f32 $1.442695020e+00, v5;
	v9 =	vmax.f32 v4, v9  }
0x11c: {  	v10 =	vmax.f32 v18, v10;
	v13 =	vmax.f32 v15, v13;
	v15 =	vperm.xlane v9, v2  }
0x11d: {  	v17 =	vperm.xlane v10, v1;
	v6 =	vmul.f32 $1.442695020e+00, v6  }
0x11e: {  	v16 =	vperm.xlane v13, v2;
	(erf) = vpow2.f32 v5;
	v9 =	vmax.f32 v9, v15  }
0x11f: {  	v4 =	vpop (erf);
	v10 =	vmax.f32 v10, v17;
	(erf) = vpow2.f32 v6;
	v6 =	vmax.f32 v11, v8  }
0x120: {  	v8 =	vmax.f32 v13, v16;
	v5 =	vpop (erf);
	v11 =	vperm.xlane v9, v3;
	v13 =	vperm.xlane v4, v0  }
0x121: {  	v17 =	vperm.xlane v10, v2;
	v15 =	vperm.xlane v5, v0;
	v6 =	vsub.f32 v12, v6  }
0x122: {  	v16 =	vperm.xlane v8, v3;
	v9 =	vmax.f32 v9, v11;
	v11 =	vadd.f32 v4, v13  }
0x123: {  	v12 =	vadd.f32 v5, v15;
	v13 =	vmul.f32 $1.442695020e+00, v6;
	v6 =	vsub.f32 v14, v9  }
0x124: {  	v9 =	vmax.f32 v10, v17;
	v8 =	vmax.f32 v8, v16;
	v10 =	vperm.xlane v11, v1  }
0x125: {  	v14 =	vperm.xlane v9, v3;
	v7 =	vsub.f32 v7, v8  }
0x126: {  	v8 =	vperm.xlane v12, v1;
	v15 =	vmul.f32 $1.442695020e+00, v6;
	v10 =	vadd.f32 v11, v10  }
0x127: {  	(erf) = vpow2.f32 v13;
	v9 =	vmax.f32 v9, v14;
	v11 =	vmul.f32 $1.442695020e+00, v7  }
0x128: {  	v6 =	vpop (erf);
	v9 =	vsub.f32 v18, v9;
	(erf) = vpow2.f32 v15;
	v13 =	vperm.xlane v10, v2  }
0x129: {  	v8 =	vadd.f32 v12, v8;
	(erf) = vpow2.f32 v11;
	v11 =	vperm.xlane v6, v0;
	v7 =	vpop (erf)  }
0x12a: {  	v9 =	vmul.f32 $1.442695020e+00, v9;
	v14 =	vperm.xlane v7, v0  }
0x12b: {  	v10 =	vadd.f32 v10, v13;
	v13 =	vperm.xlane v8, v2  }
0x12c: {  	(erf) = vpow2.f32 v9;
	v9 =	vadd.f32 v6, v11;
	v12 =	vadd.f32 v7, v14;
	_ =	sdelay $0x1  }
0x12d: {  	v13 =	vadd.f32 v8, v13;
	v8 =	vperm.xlane v9, v1;
	v11 =	vperm.xlane v12, v1  }
0x12e: {  	v14 =	vperm.xlane v10, v3  }
0x12f: {  	v11 =	vadd.f32 v12, v11  }
0x130: {  	v14 =	vadd.f32 v10, v14;
	v10 =	vpop (erf);
	v12 =	vperm.xlane v13, v3  }
0x131: {  	v15 =	vadd.f32 v9, v8;
	v17 =	vperm.xlane v10, v0;
	v8 =	vpop (erf);
	v16 =	vperm.xlane v11, v2  }
0x132: {  	(erf) = vrcp.f32 v14;
	v12 =	vadd.f32 v13, v12;
	v13 =	vperm.xlane v8, v0  }
0x133: {  	v14 =	vperm.xlane v15, v2;
	v20 =	vadd.f32 v10, v17;
	v9 =	vpop (erf);
	v18 =	vadd.f32 v11, v16  }
0x134: {  	v13 =	vadd.f32 v8, v13;
	v16 =	vperm.xlane v9, v0;
	(erf) = vrcp.f32 v12  }
0x135: {  	v21 =	vperm.xlane v20, v1;
	v12 =	vadd.f32 v15, v14;
	v11 =	vpop (erf);
	v14 =	vperm.xlane v18, v3  }
0x136: {  	v19 =	vperm.xlane v11, v0;
	v17 =	vperm.xlane v13, v1;
	v15 =	vadd.f32 v9, v16  }
0x137: {  	s12 =	simm.s32 $0x0;
	s13 =	simm.s32 $0x800;
	v16 =	vperm.xlane v12, v3;
	v14 =	vadd.f32 v18, v14;
	v18 =	vadd.f32 v20, v21  }
.LBB2_6:
0x138: {  	s12 =	sadd.s32 $0x8, s12;
	v19 =	vadd.f32 v11, v19;
	v20 =	vperm.xlane v15, v1  }
0x139: {  	p0 =	slt.u32 s12, $0x1F8;
	v21 =	vadd.f32 v12, v16;
	v16 =	vperm.xlane v18, v2;
	(erf) = vrcp.f32 v14  }
0x13a: {  	v13 =	vadd.f32 v13, v17;
	v14 =	vperm.xlane v19, v1;
	v15 =	vadd.f32 v15, v20  }
0x13b: {  	v16 =	vadd.f32 v18, v16;
	(erf) = vrcp.f32 v21;
	v12 =	vpop (erf)  }
0x13c: {  	v17 =	vperm.xlane v13, v2;
	v4 =	vmul.f32 v12, v4;
	v12 =	vadd.f32 v19, v14  }
0x13d: {  	v18 =	vperm.xlane v15, v2;
	v14 =	vperm.xlane v16, v3;
	v19 =	vpop (erf)  }
0x13e: {  	v13 =	vadd.f32 v13, v17;
	v5 =	vmul.f32 v19, v5;
	[tilespmem:s11+$0xFFFFFF80] =	vst v4;
	v4 =	vperm.xlane v12, v2  }
0x13f: {  	v15 =	vadd.f32 v15, v18;
	v17 =	vld [tilespmem:s13+$0xFFFFFF80];
	v19 =	vadd.f32 v16, v14  }
0x140: {  	[tilespmem:s11+$0xFFFFFE80] =	vst v5;
	v5 =	vperm.xlane v13, v3;
	v4 =	vadd.f32 v12, v4  }
0x141: {  	v16 =	vperm.xlane v15, v3;
	v12 =	vld [tilespmem:s13+$0xFFFFFE80];
	(erf) = vrcp.f32 v19  }
0x142: {  	v5 =	vadd.f32 v13, v5;
	v18 =	vperm.xlane v4, v3;
	v14 =	vpop (erf)  }
0x143: {  	v7 =	vmul.f32 v14, v7;
	v14 =	vadd.f32 v15, v16  }
0x144: {  	v15 =	vperm.xlane v17, v0;
	v4 =	vadd.f32 v4, v18;
	v13 =	vpop (erf);
	(erf) = vrcp.f32 v5  }
0x145: {  	v5 =	vmul.f32 v13, v6;
	[tilespmem:s11+$0x80] =	vst v7;
	(erf) = vrcp.f32 v14  }
0x146: {  	v6 =	vperm.xlane v12, v0;
	v7 =	vmax.f32 v17, v15;
	(erf) = vrcp.f32 v4  }
0x147: {  	v4 =	vperm.xlane v7, v1;
	v13 =	vld [tilespmem:s13+$0x80];
	[tilespmem:s11+$0xFFFFFE00] =	vst v5  }
0x148: {  	v5 =	vld [tilespmem:s13+$0xFFFFFE00];
	v6 =	vmax.f32 v12, v6  }
0x149: {  	v14 =	vperm.xlane v6, v1;
	v4 =	vmax.f32 v7, v4  }
0x14a: {  	v7 =	vperm.xlane v4, v2;
	v15 =	vpop (erf)  }
0x14b: {  	v6 =	vmax.f32 v6, v14;
	v16 =	vmul.f32 v15, v10  }
0x14c: {  	v14 =	vperm.xlane v6, v2;
	v4 =	vmax.f32 v4, v7  }
0x14d: {  	v7 =	vperm.xlane v5, v0;
	v15 =	vperm.xlane v4, v3;
	[tilespmem:s11+$0x100] =	vst v16;
	v10 =	vpop (erf)  }
0x14e: {  	v6 =	vmax.f32 v6, v14;
	v14 =	vperm.xlane v13, v0;
	v16 =	vld [tilespmem:s13+$0x100];
	v8 =	vmul.f32 v10, v8;
	v10 =	vpop (erf)  }
0x14f: {  	v18 =	vperm.xlane v6, v3;
	v4 =	vmax.f32 v4, v15;
	v9 =	vmul.f32 v10, v9;
	v10 =	vpop (erf)  }
0x150: {  	v7 =	vmax.f32 v5, v7;
	v4 =	vsub.f32 v17, v4;
	[tilespmem:s11+$0xFFFFFF00] =	vst v8;
	v8 =	vmul.f32 v10, v11  }
0x151: {  	v6 =	vmax.f32 v6, v18;
	[tilespmem:s11+$0x180] =	vst v9  }
0x152: {  	v6 =	vsub.f32 v12, v6;
	v4 =	vmul.f32 $1.442695020e+00, v4;
	[tilespmem:s11+$0x0] =	vst v8;
	s11 =	smov.u32 s13  }
0x153: {  	v9 =	vmax.f32 v13, v14;
	v8 =	vperm.xlane v7, v1;
	v10 =	vperm.xlane v16, v0;
	v11 =	vld [tilespmem:s13+$0x180]  }
0x154: {  	v14 =	vperm.xlane v9, v1;
	v12 =	vld [tilespmem:s13+$0xFFFFFF00]  }
0x155: {  	v7 =	vmax.f32 v7, v8;
	v6 =	vmul.f32 $1.442695020e+00, v6;
	v8 =	vld [tilespmem:s13+$0x0];
	v10 =	vmax.f32 v16, v10  }
0x156: {  	v9 =	vmax.f32 v9, v14;
	v15 =	vperm.xlane v7, v2;
	v14 =	vperm.xlane v10, v1  }
0x157: {  	v17 =	vperm.xlane v9, v2  }
0x158: {  	v10 =	vmax.f32 v10, v14;
	v14 =	vperm.xlane v11, v0  }
0x159: {  	v7 =	vmax.f32 v7, v15;
	v15 =	vperm.xlane v10, v2;
	(erf) = vpow2.f32 v4  }
0x15a: {  	v9 =	vmax.f32 v9, v17;
	v4 =	vperm.xlane v12, v0;
	(erf) = vpow2.f32 v6  }
0x15b: {  	v6 =	vperm.xlane v7, v3;
	v14 =	vmax.f32 v11, v14;
	v10 =	vmax.f32 v10, v15  }
0x15c: {  	v17 =	vperm.xlane v9, v3;
	v4 =	vmax.f32 v12, v4;
	v15 =	vperm.xlane v8, v0  }
0x15d: {  	v18 =	vperm.xlane v14, v1;
	v6 =	vmax.f32 v7, v6;
	v7 =	vperm.xlane v10, v3  }
0x15e: {  	v9 =	vmax.f32 v9, v17;
	v5 =	vsub.f32 v5, v6;
	v6 =	vperm.xlane v4, v1  }
0x15f: {  	v9 =	vsub.f32 v13, v9;
	v15 =	vmax.f32 v8, v15;
	v13 =	vmax.f32 v14, v18  }
0x160: {  	v17 =	vperm.xlane v13, v2;
	v18 =	vmul.f32 $1.442695020e+00, v5;
	v6 =	vmax.f32 v4, v6  }
0x161: {  	v9 =	vmul.f32 $1.442695020e+00, v9;
	v7 =	vmax.f32 v10, v7;
	v14 =	vperm.xlane v6, v2  }
0x162: {  	v10 =	vperm.xlane v15, v1;
	v13 =	vmax.f32 v13, v17;
	(erf) = vpow2.f32 v18;
	v4 =	vpop (erf)  }
0x163: {  	v6 =	vmax.f32 v6, v14;
	v14 =	vperm.xlane v13, v3;
	v5 =	vpop (erf);
	(erf) = vpow2.f32 v9  }
0x164: {  	v10 =	vmax.f32 v15, v10;
	v9 =	vperm.xlane v6, v3;
	v17 =	vperm.xlane v4, v0  }
0x165: {  	v7 =	vsub.f32 v16, v7;
	v18 =	vperm.xlane v10, v2;
	v15 =	vperm.xlane v5, v0  }
0x166: {  	v13 =	vmax.f32 v13, v14;
	v6 =	vmax.f32 v6, v9;
	v9 =	vadd.f32 v4, v17  }
0x167: {  	v7 =	vmul.f32 $1.442695020e+00, v7;
	v11 =	vsub.f32 v11, v13;
	v14 =	vadd.f32 v5, v15  }
0x168: {  	v10 =	vmax.f32 v10, v18;
	v17 =	vsub.f32 v12, v6;
	v12 =	vperm.xlane v9, v1  }
0x169: {  	v15 =	vperm.xlane v10, v3;
	v13 =	vperm.xlane v14, v1  }
0x16a: {  	v11 =	vmul.f32 $1.442695020e+00, v11;
	v16 =	vmul.f32 $1.442695020e+00, v17;
	v9 =	vadd.f32 v9, v12  }
0x16b: {  	v10 =	vmax.f32 v10, v15;
	v12 =	vadd.f32 v14, v13;
	v6 =	vpop (erf);
	(erf) = vpow2.f32 v7  }
0x16c: {  	v8 =	vsub.f32 v8, v10;
	v13 =	vperm.xlane v9, v2;
	(erf) = vpow2.f32 v16;
	v7 =	vpop (erf)  }
0x16d: {  	v10 =	vperm.xlane v7, v0;
	(erf) = vpow2.f32 v11  }
0x16e: {  	v8 =	vmul.f32 $1.442695020e+00, v8;
	v11 =	vperm.xlane v6, v0;
	v9 =	vadd.f32 v9, v13  }
0x16f: {  	v13 =	vperm.xlane v12, v2;
	v10 =	vadd.f32 v7, v10  }
0x170: {  	v11 =	vadd.f32 v6, v11;
	v14 =	vperm.xlane v9, v3;
	(erf) = vpow2.f32 v8  }
0x171: {  	v8 =	vperm.xlane v10, v1  }
0x172: {  	v12 =	vadd.f32 v12, v13;
	v15 =	vperm.xlane v11, v1  }
0x173: {  	v13 =	vadd.f32 v10, v8  }
0x174: {  	v16 =	vperm.xlane v12, v3;
	v17 =	vadd.f32 v9, v14;
	v10 =	vpop (erf)  }
0x175: {  	v11 =	vadd.f32 v11, v15;
	v14 =	vperm.xlane v13, v2;
	v15 =	vperm.xlane v10, v0;
	v8 =	vpop (erf)  }
0x176: {  	v12 =	vadd.f32 v12, v16;
	v16 =	vperm.xlane v8, v0;
	(erf) = vrcp.f32 v17;
	v9 =	vpop (erf)  }
.Ltmp2:
0x177: {  	v17 =	vperm.xlane v11, v2;
	v14 =	vadd.f32 v13, v14;
	v18 =	vadd.f32 v10, v15;
	(pc) =	sbr.rel @p0 .LBB2_6-.Ltmp2, $4  }
0x178: {  	v15 =	vperm.xlane v9, v0;
	v13 =	vadd.f32 v8, v16;
	(erf) = vrcp.f32 v12  }
0x179: {  	v12 =	vadd.f32 v11, v17;
	v20 =	vperm.xlane v14, v3;
	v21 =	vperm.xlane v18, v1;
	v11 =	vpop (erf)  }
0x17a: {  	v15 =	vadd.f32 v9, v15;
	v17 =	vperm.xlane v13, v1;
	v19 =	vperm.xlane v11, v0  }
0x17b: {  	s13 =	sadd.s32 $0x400, s13;
	v16 =	vperm.xlane v12, v3;
	v14 =	vadd.f32 v14, v20;
	v18 =	vadd.f32 v18, v21  }
0x17c: {  	v19 =	vadd.f32 v11, v19  }
0x17d: {  	v20 =	vperm.xlane v15, v1  }
0x17e: {  	v13 =	vadd.f32 v13, v17;
	v44 =	vperm.xlane v19, v1  }
0x17f: {  	v45 =	vperm.xlane v18, v2;
	v15 =	vadd.f32 v15, v20  }
0x180: {  	v46 =	vperm.xlane v13, v2;
	v17 =	vadd.f32 v19, v44  }
0x181: {  	v18 =	vadd.f32 v18, v45;
	v47 =	vperm.xlane v15, v2  }
0x182: {  	v13 =	vadd.f32 v13, v46;
	v48 =	vperm.xlane v17, v2  }
0x183: {  	v49 =	vperm.xlane v18, v3;
	v15 =	vadd.f32 v15, v47  }
0x184: {  	v12 =	vadd.f32 v12, v16;
	v50 =	vperm.xlane v13, v3;
	v17 =	vadd.f32 v17, v48  }
0x185: {  	(erf) = vrcp.f32 v14;
	v51 =	vadd.f32 v18, v49;
	v52 =	vperm.xlane v15, v3  }
0x186: {  	(erf) = vrcp.f32 v12;
	v53 =	vadd.f32 v13, v50;
	v54 =	vperm.xlane v17, v3  }
0x187: {  	(erf) = vrcp.f32 v51;
	v55 =	vadd.f32 v15, v52  }
0x188: {  	(erf) = vrcp.f32 v53;
	v13 =	vadd.f32 v17, v54  }
0x189: {  	(erf) = vrcp.f32 v55  }
0x18a: {  	(erf) = vrcp.f32 v13;
	_ =	sdelay $0x1  }
0x18b: {  	v56 =	vpop (erf)  }
0x18c: {  	v4 =	vmul.f32 v56, v4;
	v57 =	vpop (erf)  }
0x18d: {  	v5 =	vmul.f32 v57, v5;
	v58 =	vpop (erf)  }
0x18e: {  	[tilespmem:s11+$0xFFFFFF80] =	vst v4;
	v4 =	vmul.f32 v58, v7;
	v59 =	vpop (erf)  }
0x18f: {  	[tilespmem:s11+$0xFFFFFE80] =	vst v5;
	v5 =	vmul.f32 v59, v6;
	v60 =	vpop (erf)  }
0x190: {  	[tilespmem:s11+$0x80] =	vst v4;
	v4 =	vmul.f32 v60, v10;
	v61 =	vpop (erf)  }
0x191: {  	[tilespmem:s11+$0xFFFFFE00] =	vst v5;
	v5 =	vmul.f32 v61, v8;
	v62 =	vpop (erf)  }
0x192: {  	[tilespmem:s11+$0x100] =	vst v4;
	v4 =	vmul.f32 v62, v9;
	v63 =	vpop (erf)  }
0x193: {  	s10 =	sadd.s32 $0x1, s10;
	[tilespmem:s11+$0xFFFFFF00] =	vst v5;
	v5 =	vmul.f32 v63, v11  }
0x194: {  	p0 =	sne.s32 s10, s6;
	[tilespmem:s11+$0x180] =	vst v4  }
.Ltmp3:
0x195: {  	[tilespmem:s11+$0x0] =	vst v5;
	(pc) =	sbr.rel @p0 .LBB2_1-.Ltmp3, $4  }
0x196: {  	[hbm4b:s5+s1] =	stream.linear.scatter [tilespmem:s9], [sflag:$0x2], $0x10000, $0x38;
	[tilespmem:$0x10200] =	vst v63  }
0x197: {  	_ =	swait.ge [sflag:s7], $0x10000  }
0x198: {  	[sflag:s7] =	ssyncset.done $0x0  }
0x199: {  	[sflag:s7] =	ssyncadd.s32 $0xFFFF0000  }
0x19a: {  	_ =	sfence.sel $0x180000  }
0x19b: {  	[bflag:$0x0] =	sbarrier.arrive $0xFFFF  }
0x19c: {  	p0 =	sne.s32 s2, $0x0;
	_ =	strace $0x90000047  }
0x19d: {  	s0 =	sadd.s32 @!p0 $0x100000, s0;
	[bflag:$0x2] =	sbarrier.arrive $0xFFFF  }
0x19e: {  	[sflag:s0] =	ssyncadd.tile.s32 @!p0 $0x1;
	_ =	shalt  }
.Lfunc_end2:
_tile_overlayer_lowered:
.L_overlay_start_2:
0x19f: {  	(tag) =	ssettag $0x2  }
0x1a0: {  	s0 =	rddreg [dreg:$0x0];
	s2 =	stileid.u32  }
0x1a1: {  	s1 =	rddreg [dreg:$0x1];
	p0 =	sne.s32 s2, $0x0  }
0x1a2: {  	s3 =	rddreg [dreg:$0x2];
	[bflag:$0x3] =	sbarrier.arrive $0xFFFF;
	s2 =	simm.s32 @!p0 $0x1C02  }
0x1a3: {  	[timem:s3], [sflag:s2] =	dma.local @!p0 [hbm:s0], s1  }
0x1a4: {  	s0 =	simm.s32 @!p0 $0x2  }
0x1a5: {  	_ =	swait.ge @!p0 [sflag:s0], s1  }
0x1a6: {  	s1 =	ssub.s32 @!p0 $0x0, s1;
	[sflag:s0] =	ssyncset.done @!p0 $0x0  }
0x1a7: {  	[sflag:s0] =	ssyncadd.s32 @!p0 s1  }
0x1a8: {  	[bflag:$0x3] =	sbarrier.arrive $0xFFFF  }
0x1a9: {  	_ =	shalt  }

</sc_bundles>
